<compile_context>
chip_gen: v7x
topology: tpu7x:2x2x1
jax: 0.10.2.dev20260603
libtpu: 0.0.44.dev20260713+nightly
codegen_flags: <defaults>
</compile_context>

<pallas_src>
import jax
import jax.numpy as jnp
from jax import lax
from jax.experimental import pallas as pl
from jax.experimental.pallas import tpu as pltpu
from jax.experimental.pallas import tpu_sc as plsc

K = 4096
XLO = -13.0
SCALE = K / 26.0
L = 16
NIMG = 16
NPIX = 512 * 512
HALF = NPIX // 2
CH = 16384
UNROLL = 16
NCH = HALF // CH
KP = 2 * K + L


def _body(pred_hbm, tgt_hbm, out_hbm, xa, xb, ta, tb, cnt_ref,
          cnt_sh, other_cnt, outv, sxa, sxb, sta, stb):
    c = lax.axis_index("c")
    s = lax.axis_index("s")
    img_local = s // 2
    half = s % 2
    img = c * 8 + img_local
    base = half * HALF

    zero = jnp.zeros((L,), jnp.float32)

    def zrow(i, _):
        cnt_ref[pl.ds(i * L, L)] = zero
        return 0
    lax.fori_loop(0, KP // L, zrow, 0)

    ones = jnp.ones((L,), jnp.float32)

    def start(bx, bt, ci, sx, st):
        off = base + ci * CH
        pltpu.async_copy(pred_hbm.at[img, pl.ds(off, CH)], bx, sx)
        pltpu.async_copy(tgt_hbm.at[img, pl.ds(off, CH)], bt, st)

    def wait(bx, bt, sx, st):
        pltpu.make_async_copy(pred_hbm.at[img, pl.ds(0, CH)], bx, sx).wait()
        pltpu.make_async_copy(tgt_hbm.at[img, pl.ds(0, CH)], bt, st).wait()

    def process(bx, bt):
        @plsc.parallel_loop(0, CH // L, 1, unroll=UNROLL)
        def _inner(i):
            x = bx[pl.ds(i * L, L)]
            t = bt[pl.ds(i * L, L)]
            bi = ((x - XLO) * SCALE).astype(jnp.int32)
            bi = jnp.minimum(jnp.maximum(bi, 0), K - 1)
            idx = bi + t * K
            plsc.addupdate_scatter(cnt_ref, [idx], ones)

    start(xa, ta, 0, sxa, sta)

    def pair(pi, _):
        c0 = pi * 2
        start(xb, tb, c0 + 1, sxb, stb)
        wait(xa, ta, sxa, sta)
        process(xa, ta)

        @pl.when(c0 + 2 < NCH)
        def _():
            start(xa, ta, c0 + 2, sxa, sta)
        wait(xb, tb, sxb, stb)
        process(xb, tb)
        return 0
    lax.fori_loop(0, NCH // 2, pair, 0)

    pltpu.sync_copy(cnt_ref, cnt_sh.at[img_local, half])
    plsc.subcore_barrier()

    @pl.when(half == 0)
    def _final():
        pltpu.sync_copy(cnt_sh.at[img_local, 1], other_cnt)

        vzero = jnp.zeros((L,), jnp.float32)
        lanef = lax.iota(jnp.int32, L).astype(jnp.float32)
        invS = jnp.float32(26.0 / K)

        def scan1(ci, carry):
            n1v, s1v = carry
            j0 = K + ci * L
            c1 = cnt_ref[pl.ds(j0, L)] + other_cnt[pl.ds(j0, L)]
            xc = XLO + (jnp.float32(ci * L) + lanef + 0.5) * invS
            pv = 1.0 / (1.0 + jnp.exp(-xc))
            return (n1v + c1, s1v + c1 * pv)

        n1v, s1v = lax.fori_loop(0, K // L, scan1, (vzero, vzero))
        n1 = jnp.sum(n1v)
        s1 = jnp.sum(s1v)
        n1v = jnp.full((L,), n1)

        def scan(ci, carry):
            bcum, accv, topv = carry
            j0 = (K // L - 1 - ci) * L
            mc = cnt_ref[pl.ds(j0, L)] + other_cnt[pl.ds(j0, L)]
            rc = lax.rev(mc, (0,))
            xc = XLO + (jnp.float32(j0) + jnp.float32(L) - 0.5 - lanef) * invS
            pv = 1.0 / (1.0 + jnp.exp(-xc))
            rs = rc * pv
            bvec = bcum + lax.cumsum(rc, axis=0)
            avec = bvec - rc
            denom = jnp.maximum((n1v + avec) * (n1v + bvec), 1.0)
            accv = accv + n1v * rs / denom
            cond = (avec == 0.0) & (rc > 0.0)
            topv = jnp.where(cond, pv, topv)
            return (bcum + jnp.sum(rc), accv, topv)

        _, accv, topv = lax.fori_loop(
            0, K // L, scan, (jnp.float32(0.0), vzero, vzero))
        accs = jnp.where(n1 > 0.0, jnp.sum(accv), jnp.sum(topv))
        loss = 1.0 - s1 * jnp.float32(1.0 / NPIX) + accs
        outv[...] = jnp.full((L,), loss, jnp.float32)
        pltpu.sync_copy(outv, out_hbm.at[img])


def _build():
    mesh = plsc.VectorSubcoreMesh(core_axis_name="c", subcore_axis_name="s")
    return pl.kernel(
        _body,
        out_type=jax.ShapeDtypeStruct((NIMG, L), jnp.float32),
        mesh=mesh,
        compiler_params=pltpu.CompilerParams(needs_layout_passes=False),
        scratch_types=[
            pltpu.VMEM((CH,), jnp.float32),
            pltpu.VMEM((CH,), jnp.float32),
            pltpu.VMEM((CH,), jnp.int32),
            pltpu.VMEM((CH,), jnp.int32),
            pltpu.VMEM((KP,), jnp.float32),
            pltpu.VMEM_SHARED((10, 2, KP), jnp.float32),
            pltpu.VMEM((KP,), jnp.float32),
            pltpu.VMEM((L,), jnp.float32),
            pltpu.SemaphoreType.DMA,
            pltpu.SemaphoreType.DMA,
            pltpu.SemaphoreType.DMA,
            pltpu.SemaphoreType.DMA,
        ],
    )


def kernel(pred, target):
    predf = pred.reshape(NIMG, NPIX)
    tgtf = target.reshape(NIMG, NPIX)
    out = _build()(predf, tgtf)
    return jnp.mean(out[:, 0])

# --- scband reference (transcript-rebuilt; emitter-appended) ---
"""Pipeline reference for scband-lovasz-sigmoid-loss-21878563406302 (READ-ONLY COPY).

The authoritative reference and input builder live on the scoring server;
editing this copy changes nothing except your own understanding.
"""

import jax, jax.numpy as jnp
import numpy as np

def setup_inputs(seed: int = 0) -> dict:
    key = jax.random.key(seed)
    k1, k2 = jax.random.split(key)
    pred = jax.random.normal(k1, (16, 512, 512), dtype=jnp.float32)
    target = jax.random.randint(k2, (16, 512, 512), 0, 2, dtype=jnp.int32)
    return {"pred": pred, "target": target}

def _lovasz_hinge_flat(logits, labels):
    # labels: float {0,1}; logits: per-pixel scores (here sigmoid probs)
    signs = 2.0 * labels - 1.0
    errors = 1.0 - logits * signs
    perm = jnp.argsort(-errors)  # descending sort
    errors_sorted = errors[perm]
    gt_sorted = labels[perm]
    gts = gt_sorted.sum()
    intersection = gts - jnp.cumsum(gt_sorted)
    union = gts + jnp.cumsum(1.0 - gt_sorted)
    jaccard = 1.0 - intersection / union
    # lovasz gradient: first-difference of jaccard
    jaccard = jnp.concatenate([jaccard[:1], jaccard[1:] - jaccard[:-1]])
    return jnp.dot(jax.nn.relu(errors_sorted), jaccard)

def reference(pred, target):
    probs = jax.nn.sigmoid(pred)
    B = probs.shape[0]
    logits_flat = probs.reshape(B, -1)
    labels_flat = target.reshape(B, -1).astype(jnp.float32)
    # per_image=True: compute loss per image, then mean
    losses = jax.vmap(_lovasz_hinge_flat)(logits_flat, labels_flat)
    return jnp.mean(losses)

if __name__ == "__main__":
    import jax
    _d = setup_inputs()
    print(jax.jit(kernel)(*tuple(_d.values())))

</pallas_src>

<mosaic_0001>
#map = affine_map<(d0, d1) -> (0, 0)>
module attributes {stable_mosaic.version = 14 : i64} {
  func.func @_body(%arg0: i32, %arg1: i32, %arg2: memref<16x262144xf32, #tpu.memory_space<hbm>>, %arg3: memref<16x262144xi32, #tpu.memory_space<hbm>>, %arg4: memref<16x16xf32, #tpu.memory_space<hbm>>, %arg5: memref<16384xf32, #tpu.memory_space<vmem>>, %arg6: memref<16384xf32, #tpu.memory_space<vmem>>, %arg7: memref<16384xi32, #tpu.memory_space<vmem>>, %arg8: memref<16384xi32, #tpu.memory_space<vmem>>, %arg9: memref<8208xf32, #tpu.memory_space<vmem>>, %arg10: memref<10x2x8208xf32, #tpu.memory_space<vmem_shared>>, %arg11: memref<8208xf32, #tpu.memory_space<vmem>>, %arg12: memref<16xf32, #tpu.memory_space<vmem>>, %arg13: memref<!tpu.dma_semaphore, #tpu.memory_space<semaphore_mem>>, %arg14: memref<!tpu.dma_semaphore, #tpu.memory_space<semaphore_mem>>, %arg15: memref<!tpu.dma_semaphore, #tpu.memory_space<semaphore_mem>>, %arg16: memref<!tpu.dma_semaphore, #tpu.memory_space<semaphore_mem>>) attributes {dimension_semantics = [#tpu.dimension_semantics<core_parallel>, #tpu.dimension_semantics<subcore_parallel>], iteration_bounds = array<i64: 2, 16>, scalar_prefetch = 0 : i64, scratch_operands = 12 : i64, tpu.core_type = #tpu.core_type<sc_vector_subcore>, window_params = [{transform_indices = #map}, {transform_indices = #map}, {transform_indices = #map}]} {
    %jit3A = arith.constant 2 : i32
    %div3A = arith.divsi %arg1, %jit3A : i32
    %sign3A = arith.constant 0 : i32
    %sign3A_0 = arith.cmpi sgt, %arg1, %sign3A : i32
    %sign3A_1 = arith.extui %sign3A_0 : i1 to i32
    %sign3A_2 = arith.constant 0 : i32
    %sign3A_3 = arith.cmpi slt, %arg1, %sign3A_2 : i32
    %sign3A_4 = arith.extui %sign3A_3 : i1 to i32
    %sign3A_5 = arith.subi %sign3A_1, %sign3A_4 : i32
    %sign3A_6 = arith.constant 0 : i32
    %sign3A_7 = arith.cmpi sgt, %jit3A, %sign3A_6 : i32
    %sign3A_8 = arith.extui %sign3A_7 : i1 to i32
    %sign3A_9 = arith.constant 0 : i32
    %sign3A_10 = arith.cmpi slt, %jit3A, %sign3A_9 : i32
    %sign3A_11 = arith.extui %sign3A_10 : i1 to i32
    %sign3A_12 = arith.subi %sign3A_8, %sign3A_11 : i32
    %ne3A = arith.cmpi ne, %sign3A_5, %sign3A_12 : i32
    %rem3A = arith.remsi %arg1, %jit3A : i32
    %ne3A_13 = arith.constant 0 : i32
    %ne3A_14 = arith.cmpi ne, %rem3A, %ne3A_13 : i32
    %and3A = arith.andi %ne3A, %ne3A_14 : i1
    %sub3A = arith.constant 1 : i32
    %sub3A_15 = arith.subi %div3A, %sub3A : i32
    %select_n3A = arith.select %and3A, %sub3A_15, %div3A : i32
    %jit3A_16 = arith.constant 2 : i32
    %eq3A = arith.constant 0 : i32
    %eq3A_17 = arith.cmpi eq, %jit3A_16, %eq3A : i32
    %jit3A_18 = arith.constant 1 : i32
    %select_n3A_19 = arith.select %eq3A_17, %jit3A_18, %jit3A_16 : i32
    %rem3A_20 = arith.remsi %arg1, %select_n3A_19 : i32
    %ne3A_21 = arith.constant 0 : i32
    %ne3A_22 = arith.cmpi ne, %rem3A_20, %ne3A_21 : i32
    %lt3A = arith.constant 0 : i32
    %lt3A_23 = arith.cmpi slt, %rem3A_20, %lt3A : i32
    %lt3A_24 = arith.constant 0 : i32
    %lt3A_25 = arith.cmpi slt, %select_n3A_19, %lt3A_24 : i32
    %ne3A_26 = arith.xori %lt3A_23, %lt3A_25 : i1
    %and3A_27 = arith.andi %ne3A_26, %ne3A_22 : i1
    %add3A = arith.addi %rem3A_20, %select_n3A_19 : i32
    %select_n3A_28 = arith.select %and3A_27, %add3A, %rem3A_20 : i32
    %mul3A = arith.constant 8 : i32
    %mul3A_29 = arith.muli %arg0, %mul3A : i32
    %add3A_30 = arith.addi %mul3A_29, %select_n3A : i32
    %mul3A_31 = arith.constant 131072 : i32
    %mul3A_32 = arith.muli %select_n3A_28, %mul3A_31 : i32
    %broadcast_in_dim3A = arith.constant 0.000000e+00 : f32
    %broadcast_in_dim3A_33 = vector.broadcast %broadcast_in_dim3A : f32 to vector<16xf32>
    %scan3A = arith.constant 0 : i32
    %scan3A_34 = arith.constant 0 : i32
    %scan3A_35 = arith.constant 513 : i32
    %scan3A_36 = arith.addi %scan3A_34, %scan3A_35 : i32
    %scan3A_37 = arith.constant 1 : i32
    %scan3A_38 = scf.for %scan3A_61 = %scan3A_34 to %scan3A_36 step %scan3A_37 iter_args(%scan3A_62 = %scan3A) -> (i32)  : i32 {
      %mul3A_63 = arith.constant 16 : i32
      %mul3A_64 = arith.muli %scan3A_61, %mul3A_63 : i32
      %swap3A = arith.index_cast %mul3A_64 : i32 to index
      %swap3A_65 = tpu.vector_load %arg9[%swap3A] {strides = array<i32>} : memref<8208xf32, #tpu.memory_space<vmem>>, vector<16xf32>,
      tpu.vector_store %arg9[%swap3A], %broadcast_in_dim3A_33 {strides = array<i32>} : memref<8208xf32, #tpu.memory_space<vmem>>, vector<16xf32>,
      %scan3A_66 = arith.constant 0 : i32
      scf.yield %scan3A_66 : i32
    }
    %scan3A_39 = arith.constant 513 : i32
    %broadcast_in_dim3A_40 = arith.constant 1.000000e+00 : f32
    %broadcast_in_dim3A_41 = vector.broadcast %broadcast_in_dim3A_40 : f32 to vector<16xf32>
    %add3A_42 = arith.constant 0 : i32
    %add3A_43 = arith.addi %mul3A_32, %add3A_42 : i32
    %dma_start3A = tpu.memref_slice %arg2[%add3A_30, %add3A_43] : memref<16x262144xf32, #tpu.memory_space<hbm>> -> memref<1x16384xf32, #tpu.memory_space<hbm>>
    %dma_start3A_44 = tpu.memref_squeeze %dma_start3A : memref<1x16384xf32, #tpu.memory_space<hbm>> -> memref<16384xf32, #tpu.memory_space<hbm>>
    %dma_start3A_45 = tpu.memref_slice %arg2[%add3A_30, %add3A_43] : memref<16x262144xf32, #tpu.memory_space<hbm>> -> memref<1x16384xf32, #tpu.memory_space<hbm>>
    %dma_start3A_46 = tpu.memref_squeeze %dma_start3A_45 : memref<1x16384xf32, #tpu.memory_space<hbm>> -> memref<16384xf32, #tpu.memory_space<hbm>>
    tpu.enqueue_dma source(%dma_start3A_46 : memref<16384xf32, #tpu.memory_space<hbm>>) target(%arg5 : memref<16384xf32, #tpu.memory_space<vmem>>) target_semaphore(%arg13 : memref<!tpu.dma_semaphore, #tpu.memory_space<semaphore_mem>>)
    %dma_start3A_47 = tpu.memref_slice %arg3[%add3A_30, %add3A_43] : memref<16x262144xi32, #tpu.memory_space<hbm>> -> memref<1x16384xi32, #tpu.memory_space<hbm>>
    %dma_start3A_48 = tpu.memref_squeeze %dma_start3A_47 : memref<1x16384xi32, #tpu.memory_space<hbm>> -> memref<16384xi32, #tpu.memory_space<hbm>>
    %dma_start3A_49 = tpu.memref_slice %arg3[%add3A_30, %add3A_43] : memref<16x262144xi32, #tpu.memory_space<hbm>> -> memref<1x16384xi32, #tpu.memory_space<hbm>>
    %dma_start3A_50 = tpu.memref_squeeze %dma_start3A_49 : memref<1x16384xi32, #tpu.memory_space<hbm>> -> memref<16384xi32, #tpu.memory_space<hbm>>
    tpu.enqueue_dma source(%dma_start3A_50 : memref<16384xi32, #tpu.memory_space<hbm>>) target(%arg7 : memref<16384xi32, #tpu.memory_space<vmem>>) target_semaphore(%arg15 : memref<!tpu.dma_semaphore, #tpu.memory_space<semaphore_mem>>)
    %scan3A_51 = arith.constant 0 : i32
    %scan3A_52 = arith.constant 0 : i32
    %scan3A_53 = arith.constant 4 : i32
    %scan3A_54 = arith.addi %scan3A_52, %scan3A_53 : i32
    %scan3A_55 = arith.constant 1 : i32
    %scan3A_56 = scf.for %scan3A_61 = %scan3A_52 to %scan3A_54 step %scan3A_55 iter_args(%scan3A_62 = %scan3A_51) -> (i32)  : i32 {
      %mul3A_63 = arith.constant 2 : i32
      %mul3A_64 = arith.muli %scan3A_61, %mul3A_63 : i32
      %add3A_65 = arith.constant 1 : i32
      %add3A_66 = arith.addi %mul3A_64, %add3A_65 : i32
      %mul3A_67 = arith.constant 16384 : i32
      %mul3A_68 = arith.muli %add3A_66, %mul3A_67 : i32
      %add3A_69 = arith.addi %mul3A_32, %mul3A_68 : i32
      %dma_start3A_70 = tpu.memref_slice %arg2[%add3A_30, %add3A_69] : memref<16x262144xf32, #tpu.memory_space<hbm>> -> memref<1x16384xf32, #tpu.memory_space<hbm>>
      %dma_start3A_71 = tpu.memref_squeeze %dma_start3A_70 : memref<1x16384xf32, #tpu.memory_space<hbm>> -> memref<16384xf32, #tpu.memory_space<hbm>>
      %dma_start3A_72 = tpu.memref_slice %arg2[%add3A_30, %add3A_69] : memref<16x262144xf32, #tpu.memory_space<hbm>> -> memref<1x16384xf32, #tpu.memory_space<hbm>>
      %dma_start3A_73 = tpu.memref_squeeze %dma_start3A_72 : memref<1x16384xf32, #tpu.memory_space<hbm>> -> memref<16384xf32, #tpu.memory_space<hbm>>
      tpu.enqueue_dma source(%dma_start3A_73 : memref<16384xf32, #tpu.memory_space<hbm>>) target(%arg6 : memref<16384xf32, #tpu.memory_space<vmem>>) target_semaphore(%arg14 : memref<!tpu.dma_semaphore, #tpu.memory_space<semaphore_mem>>)
      %dma_start3A_74 = tpu.memref_slice %arg3[%add3A_30, %add3A_69] : memref<16x262144xi32, #tpu.memory_space<hbm>> -> memref<1x16384xi32, #tpu.memory_space<hbm>>
      %dma_start3A_75 = tpu.memref_squeeze %dma_start3A_74 : memref<1x16384xi32, #tpu.memory_space<hbm>> -> memref<16384xi32, #tpu.memory_space<hbm>>
      %dma_start3A_76 = tpu.memref_slice %arg3[%add3A_30, %add3A_69] : memref<16x262144xi32, #tpu.memory_space<hbm>> -> memref<1x16384xi32, #tpu.memory_space<hbm>>
      %dma_start3A_77 = tpu.memref_squeeze %dma_start3A_76 : memref<1x16384xi32, #tpu.memory_space<hbm>> -> memref<16384xi32, #tpu.memory_space<hbm>>
      tpu.enqueue_dma source(%dma_start3A_77 : memref<16384xi32, #tpu.memory_space<hbm>>) target(%arg8 : memref<16384xi32, #tpu.memory_space<vmem>>) target_semaphore(%arg16 : memref<!tpu.dma_semaphore, #tpu.memory_space<semaphore_mem>>)
      %dma_wait3A = arith.constant 0 : i32
      %dma_wait3A_78 = tpu.memref_slice %arg2[%add3A_30, %dma_wait3A] : memref<16x262144xf32, #tpu.memory_space<hbm>> -> memref<1x16384xf32, #tpu.memory_space<hbm>>
      %dma_wait3A_79 = tpu.memref_squeeze %dma_wait3A_78 : memref<1x16384xf32, #tpu.memory_space<hbm>> -> memref<16384xf32, #tpu.memory_space<hbm>>
      %dma_wait3A_80 = arith.constant 0 : i32
      %dma_wait3A_81 = tpu.memref_slice %arg2[%add3A_30, %dma_wait3A_80] : memref<16x262144xf32, #tpu.memory_space<hbm>> -> memref<1x16384xf32, #tpu.memory_space<hbm>>
      %dma_wait3A_82 = tpu.memref_squeeze %dma_wait3A_81 : memref<1x16384xf32, #tpu.memory_space<hbm>> -> memref<16384xf32, #tpu.memory_space<hbm>>
      tpu.wait_dma2 semaphore(%arg13 : memref<!tpu.dma_semaphore, #tpu.memory_space<semaphore_mem>>) src(%dma_wait3A_82 : memref<16384xf32, #tpu.memory_space<hbm>>) dst(%arg5 : memref<16384xf32, #tpu.memory_space<vmem>>)
      %dma_wait3A_83 = arith.constant 0 : i32
      %dma_wait3A_84 = tpu.memref_slice %arg3[%add3A_30, %dma_wait3A_83] : memref<16x262144xi32, #tpu.memory_space<hbm>> -> memref<1x16384xi32, #tpu.memory_space<hbm>>
      %dma_wait3A_85 = tpu.memref_squeeze %dma_wait3A_84 : memref<1x16384xi32, #tpu.memory_space<hbm>> -> memref<16384xi32, #tpu.memory_space<hbm>>
      %dma_wait3A_86 = arith.constant 0 : i32
      %dma_wait3A_87 = tpu.memref_slice %arg3[%add3A_30, %dma_wait3A_86] : memref<16x262144xi32, #tpu.memory_space<hbm>> -> memref<1x16384xi32, #tpu.memory_space<hbm>>
      %dma_wait3A_88 = tpu.memref_squeeze %dma_wait3A_87 : memref<1x16384xi32, #tpu.memory_space<hbm>> -> memref<16384xi32, #tpu.memory_space<hbm>>
      tpu.wait_dma2 semaphore(%arg15 : memref<!tpu.dma_semaphore, #tpu.memory_space<semaphore_mem>>) src(%dma_wait3A_88 : memref<16384xi32, #tpu.memory_space<hbm>>) dst(%arg7 : memref<16384xi32, #tpu.memory_space<vmem>>)
      %parallel_loop3A = arith.constant 0 : i32
      %parallel_loop3A_89 = arith.constant 1024 : i32
      %parallel_loop3A_90 = arith.constant 1 : i32
      scf.for %parallel_loop3A_114 = %parallel_loop3A to %parallel_loop3A_89 step %parallel_loop3A_90  : i32 {
        %parallel_loop3A_115 = arith.constant 16 : i32
        %parallel_loop3A_116 = arith.muli %parallel_loop3A_114, %parallel_loop3A_115 : i32
        %parallel_loop3A_117 = arith.index_cast %parallel_loop3A_116 : i32 to index
        %parallel_loop3A_118 = tpu.vector_load %arg5[%parallel_loop3A_117] {strides = array<i32>} : memref<16384xf32, #tpu.memory_space<vmem>>, vector<16xf32>,
        %parallel_loop3A_119 = arith.constant 16 : i32
        %parallel_loop3A_120 = arith.muli %parallel_loop3A_114, %parallel_loop3A_119 : i32
        %parallel_loop3A_121 = arith.index_cast %parallel_loop3A_120 : i32 to index
        %parallel_loop3A_122 = tpu.vector_load %arg7[%parallel_loop3A_121] {strides = array<i32>} : memref<16384xi32, #tpu.memory_space<vmem>>, vector<16xi32>,
        %parallel_loop3A_123 = arith.constant -1.300000e+01 : f32
        %parallel_loop3A_124 = vector.broadcast %parallel_loop3A_123 : f32 to vector<16xf32>
        %parallel_loop3A_125 = arith.subf %parallel_loop3A_118, %parallel_loop3A_124 : vector<16xf32>
        %parallel_loop3A_126 = arith.constant 157.538467 : f32
        %parallel_loop3A_127 = vector.broadcast %parallel_loop3A_126 : f32 to vector<16xf32>
        %parallel_loop3A_128 = arith.mulf %parallel_loop3A_125, %parallel_loop3A_127 : vector<16xf32>
        %parallel_loop3A_129 = arith.fptosi %parallel_loop3A_128 : vector<16xf32> to vector<16xi32>
        %parallel_loop3A_130 = arith.constant 0 : i32
        %parallel_loop3A_131 = vector.broadcast %parallel_loop3A_130 : i32 to vector<16xi32>
        %parallel_loop3A_132 = arith.maxsi %parallel_loop3A_129, %parallel_loop3A_131 : vector<16xi32>
        %parallel_loop3A_133 = arith.constant 4095 : i32
        %parallel_loop3A_134 = vector.broadcast %parallel_loop3A_133 : i32 to vector<16xi32>
        %parallel_loop3A_135 = arith.minsi %parallel_loop3A_132, %parallel_loop3A_134 : vector<16xi32>
        %parallel_loop3A_136 = arith.constant 4096 : i32
        %parallel_loop3A_137 = vector.broadcast %parallel_loop3A_136 : i32 to vector<16xi32>
        %parallel_loop3A_138 = arith.muli %parallel_loop3A_122, %parallel_loop3A_137 : vector<16xi32>
        %parallel_loop3A_139 = arith.addi %parallel_loop3A_135, %parallel_loop3A_138 : vector<16xi32>
        tpu.vector_store_idx %arg9[%parallel_loop3A_139], %broadcast_in_dim3A_41 {add = true} : memref<8208xf32, #tpu.memory_space<vmem>>[vector<16xi32>], vector<16xf32>,
      } {sc.loop_unroll_factor = 16 : i64, sc.parallel_access}
      %add3A_91 = arith.constant 2 : i32
      %add3A_92 = arith.addi %mul3A_64, %add3A_91 : i32
      %lt3A_93 = arith.constant 8 : i32
      %lt3A_94 = arith.cmpi slt, %add3A_92, %lt3A_93 : i32
      %convert_element_type3A_95 = arith.extui %lt3A_94 : i1 to i32
      %cond3A_96 = arith.constant 0 : i32
      %cond3A_97 = arith.cmpi ne, %convert_element_type3A_95, %cond3A_96 : i32
      scf.if %cond3A_97 {
        %add3A_114 = arith.constant 2 : i32
        %add3A_115 = arith.addi %mul3A_64, %add3A_114 : i32
        %mul3A_116 = arith.constant 16384 : i32
        %mul3A_117 = arith.muli %add3A_115, %mul3A_116 : i32
        %add3A_118 = arith.addi %mul3A_32, %mul3A_117 : i32
        %dma_start3A_119 = tpu.memref_slice %arg2[%add3A_30, %add3A_118] : memref<16x262144xf32, #tpu.memory_space<hbm>> -> memref<1x16384xf32, #tpu.memory_space<hbm>>
        %dma_start3A_120 = tpu.memref_squeeze %dma_start3A_119 : memref<1x16384xf32, #tpu.memory_space<hbm>> -> memref<16384xf32, #tpu.memory_space<hbm>>
        %dma_start3A_121 = tpu.memref_slice %arg2[%add3A_30, %add3A_118] : memref<16x262144xf32, #tpu.memory_space<hbm>> -> memref<1x16384xf32, #tpu.memory_space<hbm>>
        %dma_start3A_122 = tpu.memref_squeeze %dma_start3A_121 : memref<1x16384xf32, #tpu.memory_space<hbm>> -> memref<16384xf32, #tpu.memory_space<hbm>>
        tpu.enqueue_dma source(%dma_start3A_122 : memref<16384xf32, #tpu.memory_space<hbm>>) target(%arg5 : memref<16384xf32, #tpu.memory_space<vmem>>) target_semaphore(%arg13 : memref<!tpu.dma_semaphore, #tpu.memory_space<semaphore_mem>>)
        %dma_start3A_123 = tpu.memref_slice %arg3[%add3A_30, %add3A_118] : memref<16x262144xi32, #tpu.memory_space<hbm>> -> memref<1x16384xi32, #tpu.memory_space<hbm>>
        %dma_start3A_124 = tpu.memref_squeeze %dma_start3A_123 : memref<1x16384xi32, #tpu.memory_space<hbm>> -> memref<16384xi32, #tpu.memory_space<hbm>>
        %dma_start3A_125 = tpu.memref_slice %arg3[%add3A_30, %add3A_118] : memref<16x262144xi32, #tpu.memory_space<hbm>> -> memref<1x16384xi32, #tpu.memory_space<hbm>>
        %dma_start3A_126 = tpu.memref_squeeze %dma_start3A_125 : memref<1x16384xi32, #tpu.memory_space<hbm>> -> memref<16384xi32, #tpu.memory_space<hbm>>
        tpu.enqueue_dma source(%dma_start3A_126 : memref<16384xi32, #tpu.memory_space<hbm>>) target(%arg7 : memref<16384xi32, #tpu.memory_space<vmem>>) target_semaphore(%arg15 : memref<!tpu.dma_semaphore, #tpu.memory_space<semaphore_mem>>)
      } else {
      }
      %dma_wait3A_98 = arith.constant 0 : i32
      %dma_wait3A_99 = tpu.memref_slice %arg2[%add3A_30, %dma_wait3A_98] : memref<16x262144xf32, #tpu.memory_space<hbm>> -> memref<1x16384xf32, #tpu.memory_space<hbm>>
      %dma_wait3A_100 = tpu.memref_squeeze %dma_wait3A_99 : memref<1x16384xf32, #tpu.memory_space<hbm>> -> memref<16384xf32, #tpu.memory_space<hbm>>
      %dma_wait3A_101 = arith.constant 0 : i32
      %dma_wait3A_102 = tpu.memref_slice %arg2[%add3A_30, %dma_wait3A_101] : memref<16x262144xf32, #tpu.memory_space<hbm>> -> memref<1x16384xf32, #tpu.memory_space<hbm>>
      %dma_wait3A_103 = tpu.memref_squeeze %dma_wait3A_102 : memref<1x16384xf32, #tpu.memory_space<hbm>> -> memref<16384xf32, #tpu.memory_space<hbm>>
      tpu.wait_dma2 semaphore(%arg14 : memref<!tpu.dma_semaphore, #tpu.memory_space<semaphore_mem>>) src(%dma_wait3A_103 : memref<16384xf32, #tpu.memory_space<hbm>>) dst(%arg6 : memref<16384xf32, #tpu.memory_space<vmem>>)
      %dma_wait3A_104 = arith.constant 0 : i32
      %dma_wait3A_105 = tpu.memref_slice %arg3[%add3A_30, %dma_wait3A_104] : memref<16x262144xi32, #tpu.memory_space<hbm>> -> memref<1x16384xi32, #tpu.memory_space<hbm>>
      %dma_wait3A_106 = tpu.memref_squeeze %dma_wait3A_105 : memref<1x16384xi32, #tpu.memory_space<hbm>> -> memref<16384xi32, #tpu.memory_space<hbm>>
      %dma_wait3A_107 = arith.constant 0 : i32
      %dma_wait3A_108 = tpu.memref_slice %arg3[%add3A_30, %dma_wait3A_107] : memref<16x262144xi32, #tpu.memory_space<hbm>> -> memref<1x16384xi32, #tpu.memory_space<hbm>>
      %dma_wait3A_109 = tpu.memref_squeeze %dma_wait3A_108 : memref<1x16384xi32, #tpu.memory_space<hbm>> -> memref<16384xi32, #tpu.memory_space<hbm>>
      tpu.wait_dma2 semaphore(%arg16 : memref<!tpu.dma_semaphore, #tpu.memory_space<semaphore_mem>>) src(%dma_wait3A_109 : memref<16384xi32, #tpu.memory_space<hbm>>) dst(%arg8 : memref<16384xi32, #tpu.memory_space<vmem>>)
      %parallel_loop3A_110 = arith.constant 0 : i32
      %parallel_loop3A_111 = arith.constant 1024 : i32
      %parallel_loop3A_112 = arith.constant 1 : i32
      scf.for %parallel_loop3A_114 = %parallel_loop3A_110 to %parallel_loop3A_111 step %parallel_loop3A_112  : i32 {
        %parallel_loop3A_115 = arith.constant 16 : i32
        %parallel_loop3A_116 = arith.muli %parallel_loop3A_114, %parallel_loop3A_115 : i32
        %parallel_loop3A_117 = arith.index_cast %parallel_loop3A_116 : i32 to index
        %parallel_loop3A_118 = tpu.vector_load %arg6[%parallel_loop3A_117] {strides = array<i32>} : memref<16384xf32, #tpu.memory_space<vmem>>, vector<16xf32>,
        %parallel_loop3A_119 = arith.constant 16 : i32
        %parallel_loop3A_120 = arith.muli %parallel_loop3A_114, %parallel_loop3A_119 : i32
        %parallel_loop3A_121 = arith.index_cast %parallel_loop3A_120 : i32 to index
        %parallel_loop3A_122 = tpu.vector_load %arg8[%parallel_loop3A_121] {strides = array<i32>} : memref<16384xi32, #tpu.memory_space<vmem>>, vector<16xi32>,
        %parallel_loop3A_123 = arith.constant -1.300000e+01 : f32
        %parallel_loop3A_124 = vector.broadcast %parallel_loop3A_123 : f32 to vector<16xf32>
        %parallel_loop3A_125 = arith.subf %parallel_loop3A_118, %parallel_loop3A_124 : vector<16xf32>
        %parallel_loop3A_126 = arith.constant 157.538467 : f32
        %parallel_loop3A_127 = vector.broadcast %parallel_loop3A_126 : f32 to vector<16xf32>
        %parallel_loop3A_128 = arith.mulf %parallel_loop3A_125, %parallel_loop3A_127 : vector<16xf32>
        %parallel_loop3A_129 = arith.fptosi %parallel_loop3A_128 : vector<16xf32> to vector<16xi32>
        %parallel_loop3A_130 = arith.constant 0 : i32
        %parallel_loop3A_131 = vector.broadcast %parallel_loop3A_130 : i32 to vector<16xi32>
        %parallel_loop3A_132 = arith.maxsi %parallel_loop3A_129, %parallel_loop3A_131 : vector<16xi32>
        %parallel_loop3A_133 = arith.constant 4095 : i32
        %parallel_loop3A_134 = vector.broadcast %parallel_loop3A_133 : i32 to vector<16xi32>
        %parallel_loop3A_135 = arith.minsi %parallel_loop3A_132, %parallel_loop3A_134 : vector<16xi32>
        %parallel_loop3A_136 = arith.constant 4096 : i32
        %parallel_loop3A_137 = vector.broadcast %parallel_loop3A_136 : i32 to vector<16xi32>
        %parallel_loop3A_138 = arith.muli %parallel_loop3A_122, %parallel_loop3A_137 : vector<16xi32>
        %parallel_loop3A_139 = arith.addi %parallel_loop3A_135, %parallel_loop3A_138 : vector<16xi32>
        tpu.vector_store_idx %arg9[%parallel_loop3A_139], %broadcast_in_dim3A_41 {add = true} : memref<8208xf32, #tpu.memory_space<vmem>>[vector<16xi32>], vector<16xf32>,
      } {sc.loop_unroll_factor = 16 : i64, sc.parallel_access}
      %scan3A_113 = arith.constant 0 : i32
      scf.yield %scan3A_113 : i32
    }
    %scan3A_57 = arith.constant 4 : i32
    "tpu.region"() ({
      %run_scoped3A = tpu.sem_alloc : memref<!tpu.dma_semaphore, #tpu.memory_space<semaphore_mem>>
      %dma_start3A_61 = arith.constant 0 : i32
      %dma_start3A_62 = tpu.memref_slice %arg10[%select_n3A, %select_n3A_28, %dma_start3A_61] : memref<10x2x8208xf32, #tpu.memory_space<vmem_shared>> -> memref<1x1x8208xf32, #tpu.memory_space<vmem_shared>>
      %dma_start3A_63 = tpu.memref_squeeze %dma_start3A_62 : memref<1x1x8208xf32, #tpu.memory_space<vmem_shared>> -> memref<8208xf32, #tpu.memory_space<vmem_shared>>
      %dma_start3A_64 = arith.constant 0 : i32
      %dma_start3A_65 = tpu.memref_slice %arg10[%select_n3A, %select_n3A_28, %dma_start3A_64] : memref<10x2x8208xf32, #tpu.memory_space<vmem_shared>> -> memref<1x1x8208xf32, #tpu.memory_space<vmem_shared>>
      %dma_start3A_66 = tpu.memref_squeeze %dma_start3A_65 : memref<1x1x8208xf32, #tpu.memory_space<vmem_shared>> -> memref<8208xf32, #tpu.memory_space<vmem_shared>>
      tpu.enqueue_dma source(%arg9 : memref<8208xf32, #tpu.memory_space<vmem>>) target(%dma_start3A_66 : memref<8208xf32, #tpu.memory_space<vmem_shared>>) target_semaphore(%run_scoped3A : memref<!tpu.dma_semaphore, #tpu.memory_space<semaphore_mem>>)
      %dma_wait3A = arith.constant 0 : i32
      %dma_wait3A_67 = tpu.memref_slice %arg10[%select_n3A, %select_n3A_28, %dma_wait3A] : memref<10x2x8208xf32, #tpu.memory_space<vmem_shared>> -> memref<1x1x8208xf32, #tpu.memory_space<vmem_shared>>
      %dma_wait3A_68 = tpu.memref_squeeze %dma_wait3A_67 : memref<1x1x8208xf32, #tpu.memory_space<vmem_shared>> -> memref<8208xf32, #tpu.memory_space<vmem_shared>>
      %dma_wait3A_69 = arith.constant 0 : i32
      %dma_wait3A_70 = tpu.memref_slice %arg10[%select_n3A, %select_n3A_28, %dma_wait3A_69] : memref<10x2x8208xf32, #tpu.memory_space<vmem_shared>> -> memref<1x1x8208xf32, #tpu.memory_space<vmem_shared>>
      %dma_wait3A_71 = tpu.memref_squeeze %dma_wait3A_70 : memref<1x1x8208xf32, #tpu.memory_space<vmem_shared>> -> memref<8208xf32, #tpu.memory_space<vmem_shared>>
      tpu.wait_dma2 semaphore(%run_scoped3A : memref<!tpu.dma_semaphore, #tpu.memory_space<semaphore_mem>>) src(%arg9 : memref<8208xf32, #tpu.memory_space<vmem>>) dst(%dma_wait3A_71 : memref<8208xf32, #tpu.memory_space<vmem_shared>>)
      tpu.yield
    }) : () -> ()
    %barrier3A = arith.constant 0 : index
    tpu.barrier barrier_id(%barrier3A)
    %eq3A_58 = arith.constant 0 : i32
    %eq3A_59 = arith.cmpi eq, %select_n3A_28, %eq3A_58 : i32
    %convert_element_type3A = arith.extui %eq3A_59 : i1 to i32
    %cond3A = arith.constant 0 : i32
    %cond3A_60 = arith.cmpi ne, %convert_element_type3A, %cond3A : i32
    scf.if %cond3A_60 {
      %run_scoped3A = arith.constant 1 : i32
      "tpu.region"() ({
        %run_scoped3A_104 = tpu.sem_alloc : memref<!tpu.dma_semaphore, #tpu.memory_space<semaphore_mem>>
        %dma_start3A_105 = arith.constant 0 : i32
        %dma_start3A_106 = tpu.memref_slice %arg10[%select_n3A, %run_scoped3A, %dma_start3A_105] : memref<10x2x8208xf32, #tpu.memory_space<vmem_shared>> -> memref<1x1x8208xf32, #tpu.memory_space<vmem_shared>>
        %dma_start3A_107 = tpu.memref_squeeze %dma_start3A_106 : memref<1x1x8208xf32, #tpu.memory_space<vmem_shared>> -> memref<8208xf32, #tpu.memory_space<vmem_shared>>
        %dma_start3A_108 = arith.constant 0 : i32
        %dma_start3A_109 = tpu.memref_slice %arg10[%select_n3A, %run_scoped3A, %dma_start3A_108] : memref<10x2x8208xf32, #tpu.memory_space<vmem_shared>> -> memref<1x1x8208xf32, #tpu.memory_space<vmem_shared>>
        %dma_start3A_110 = tpu.memref_squeeze %dma_start3A_109 : memref<1x1x8208xf32, #tpu.memory_space<vmem_shared>> -> memref<8208xf32, #tpu.memory_space<vmem_shared>>
        tpu.enqueue_dma source(%dma_start3A_110 : memref<8208xf32, #tpu.memory_space<vmem_shared>>) target(%arg11 : memref<8208xf32, #tpu.memory_space<vmem>>) target_semaphore(%run_scoped3A_104 : memref<!tpu.dma_semaphore, #tpu.memory_space<semaphore_mem>>)
        %dma_wait3A = arith.constant 0 : i32
        %dma_wait3A_111 = tpu.memref_slice %arg10[%select_n3A, %run_scoped3A, %dma_wait3A] : memref<10x2x8208xf32, #tpu.memory_space<vmem_shared>> -> memref<1x1x8208xf32, #tpu.memory_space<vmem_shared>>
        %dma_wait3A_112 = tpu.memref_squeeze %dma_wait3A_111 : memref<1x1x8208xf32, #tpu.memory_space<vmem_shared>> -> memref<8208xf32, #tpu.memory_space<vmem_shared>>
        %dma_wait3A_113 = arith.constant 0 : i32
        %dma_wait3A_114 = tpu.memref_slice %arg10[%select_n3A, %run_scoped3A, %dma_wait3A_113] : memref<10x2x8208xf32, #tpu.memory_space<vmem_shared>> -> memref<1x1x8208xf32, #tpu.memory_space<vmem_shared>>
        %dma_wait3A_115 = tpu.memref_squeeze %dma_wait3A_114 : memref<1x1x8208xf32, #tpu.memory_space<vmem_shared>> -> memref<8208xf32, #tpu.memory_space<vmem_shared>>
        tpu.wait_dma2 semaphore(%run_scoped3A_104 : memref<!tpu.dma_semaphore, #tpu.memory_space<semaphore_mem>>) src(%dma_wait3A_115 : memref<8208xf32, #tpu.memory_space<vmem_shared>>) dst(%arg11 : memref<8208xf32, #tpu.memory_space<vmem>>)
        tpu.yield
      }) : () -> ()
      %broadcast_in_dim3A_61 = arith.constant 0.000000e+00 : f32
      %broadcast_in_dim3A_62 = vector.broadcast %broadcast_in_dim3A_61 : f32 to vector<16xf32>
      %iota3A = tpu.iota {dimensions = array<i32: 0>} : vector<16xi32>
      %convert_element_type3A_63 = arith.sitofp %iota3A : vector<16xi32> to vector<16xf32>
      %scan3A_64 = arith.constant 0.00634765625 : f32
      %scan3A_65 = arith.constant 0 : i32
      %scan3A_66 = arith.constant 256 : i32
      %scan3A_67 = arith.addi %scan3A_65, %scan3A_66 : i32
      %scan3A_68 = arith.constant 1 : i32
      %scan3A_69:2 = scf.for %scan3A_104 = %scan3A_65 to %scan3A_67 step %scan3A_68 iter_args(%scan3A_105 = %broadcast_in_dim3A_62, %scan3A_106 = %broadcast_in_dim3A_62) -> (vector<16xf32>, vector<16xf32>)  : i32 {
        %mul3A_107 = arith.constant 16 : i32
        %mul3A_108 = arith.muli %scan3A_104, %mul3A_107 : i32
        %add3A_109 = arith.constant 4096 : i32
        %add3A_110 = arith.addi %add3A_109, %mul3A_108 : i32
        %get3A = arith.index_cast %add3A_110 : i32 to index
        %get3A_111 = tpu.vector_load %arg9[%get3A] {strides = array<i32>} : memref<8208xf32, #tpu.memory_space<vmem>>, vector<16xf32>,
        %get3A_112 = arith.index_cast %add3A_110 : i32 to index
        %get3A_113 = tpu.vector_load %arg11[%get3A_112] {strides = array<i32>} : memref<8208xf32, #tpu.memory_space<vmem>>, vector<16xf32>,
        %add3A_114 = arith.addf %get3A_111, %get3A_113 : vector<16xf32>
        %mul3A_115 = arith.constant 16 : i32
        %mul3A_116 = arith.muli %scan3A_104, %mul3A_115 : i32
        %convert_element_type3A_117 = arith.sitofp %mul3A_116 : i32 to f32
        %add3A_118 = vector.broadcast %convert_element_type3A_117 : f32 to vector<16xf32>
        %add3A_119 = arith.addf %add3A_118, %convert_element_type3A_63 : vector<16xf32>
        %add3A_120 = arith.constant 5.000000e-01 : f32
        %add3A_121 = vector.broadcast %add3A_120 : f32 to vector<16xf32>
        %add3A_122 = arith.addf %add3A_119, %add3A_121 : vector<16xf32>
        %mul3A_123 = vector.broadcast %scan3A_64 : f32 to vector<16xf32>
        %mul3A_124 = arith.mulf %add3A_122, %mul3A_123 : vector<16xf32>
        %add3A_125 = arith.constant -1.300000e+01 : f32
        %add3A_126 = vector.broadcast %add3A_125 : f32 to vector<16xf32>
        %add3A_127 = arith.addf %add3A_126, %mul3A_124 : vector<16xf32>
        %neg3A = arith.constant 0.000000e+00 : f32
        %neg3A_128 = vector.broadcast %neg3A : f32 to vector<16xf32>
        %neg3A_129 = arith.subf %neg3A_128, %add3A_127 : vector<16xf32>
        %exp3A = math.exp %neg3A_129 : vector<16xf32>
        %add3A_130 = arith.constant 1.000000e+00 : f32
        %add3A_131 = vector.broadcast %add3A_130 : f32 to vector<16xf32>
        %add3A_132 = arith.addf %add3A_131, %exp3A : vector<16xf32>
        %div3A_133 = arith.constant 1.000000e+00 : f32
        %div3A_134 = vector.broadcast %div3A_133 : f32 to vector<16xf32>
        %div3A_135 = arith.divf %div3A_134, %add3A_132 : vector<16xf32>
        %add3A_136 = arith.addf %scan3A_105, %add3A_114 : vector<16xf32>
        %mul3A_137 = arith.mulf %add3A_114, %div3A_135 : vector<16xf32>
        %add3A_138 = arith.addf %scan3A_106, %mul3A_137 : vector<16xf32>
        scf.yield %add3A_136, %add3A_138 : vector<16xf32>, vector<16xf32>
      }
      %scan3A_70 = arith.constant 256 : i32
      %reduce_sum3A = arith.constant true
      %reduce_sum3A_71 = vector.broadcast %reduce_sum3A : i1 to vector<16xi1>
      %reduce_sum3A_72 = tpu.scan <sum>, %scan3A_69#0 masked %reduce_sum3A_71 : vector<16xf32>, vector<16xi1> -> vector<16xf32>
      %reduce_sum3A_73 = vector.extract %reduce_sum3A_72[15] : f32 from vector<16xf32>
      %reduce_sum3A_74 = arith.constant true
      %reduce_sum3A_75 = vector.broadcast %reduce_sum3A_74 : i1 to vector<16xi1>
      %reduce_sum3A_76 = tpu.scan <sum>, %scan3A_69#1 masked %reduce_sum3A_75 : vector<16xf32>, vector<16xi1> -> vector<16xf32>
      %reduce_sum3A_77 = vector.extract %reduce_sum3A_76[15] : f32 from vector<16xf32>
      %broadcast_in_dim3A_78 = vector.broadcast %reduce_sum3A_73 : f32 to vector<16xf32>
      %scan3A_79 = arith.constant 0.00634765625 : f32
      %scan3A_80 = arith.constant 0.000000e+00 : f32
      %scan3A_81 = arith.constant 0 : i32
      %scan3A_82 = arith.constant 256 : i32
      %scan3A_83 = arith.addi %scan3A_81, %scan3A_82 : i32
      %scan3A_84 = arith.constant 1 : i32
      %scan3A_85:3 = scf.for %scan3A_104 = %scan3A_81 to %scan3A_83 step %scan3A_84 iter_args(%scan3A_105 = %scan3A_80, %scan3A_106 = %broadcast_in_dim3A_62, %scan3A_107 = %broadcast_in_dim3A_62) -> (f32, vector<16xf32>, vector<16xf32>)  : i32 {
        %sub3A_108 = arith.constant 255 : i32
        %sub3A_109 = arith.subi %sub3A_108, %scan3A_104 : i32
        %mul3A_110 = arith.constant 16 : i32
        %mul3A_111 = arith.muli %sub3A_109, %mul3A_110 : i32
        %get3A = arith.index_cast %mul3A_111 : i32 to index
        %get3A_112 = tpu.vector_load %arg9[%get3A] {strides = array<i32>} : memref<8208xf32, #tpu.memory_space<vmem>>, vector<16xf32>,
        %get3A_113 = arith.index_cast %mul3A_111 : i32 to index
        %get3A_114 = tpu.vector_load %arg11[%get3A_113] {strides = array<i32>} : memref<8208xf32, #tpu.memory_space<vmem>>, vector<16xf32>,
        %add3A_115 = arith.addf %get3A_112, %get3A_114 : vector<16xf32>
        %rev3A = arith.constant 15 : i32
        %rev3A_116 = vector.broadcast %rev3A : i32 to vector<16xi32>
        %rev3A_117 = tpu.iota {dimensions = array<i32: 0>} : vector<16xi32>
        %rev3A_118 = arith.subi %rev3A_116, %rev3A_117 : vector<16xi32>
        %rev3A_119 = tpu.dynamic_gather %add3A_115[%rev3A_118] in [0] : vector<16xf32>, vector<16xi32> -> vector<16xf32>
        %convert_element_type3A_120 = arith.sitofp %mul3A_111 : i32 to f32
        %add3A_121 = arith.constant 1.600000e+01 : f32
        %add3A_122 = arith.addf %convert_element_type3A_120, %add3A_121 : f32
        %sub3A_123 = arith.constant 5.000000e-01 : f32
        %sub3A_124 = arith.subf %add3A_122, %sub3A_123 : f32
        %sub3A_125 = vector.broadcast %sub3A_124 : f32 to vector<16xf32>
        %sub3A_126 = arith.subf %sub3A_125, %convert_element_type3A_63 : vector<16xf32>
        %mul3A_127 = vector.broadcast %scan3A_79 : f32 to vector<16xf32>
        %mul3A_128 = arith.mulf %sub3A_126, %mul3A_127 : vector<16xf32>
        %add3A_129 = arith.constant -1.300000e+01 : f32
        %add3A_130 = vector.broadcast %add3A_129 : f32 to vector<16xf32>
        %add3A_131 = arith.addf %add3A_130, %mul3A_128 : vector<16xf32>
        %neg3A = arith.constant 0.000000e+00 : f32
        %neg3A_132 = vector.broadcast %neg3A : f32 to vector<16xf32>
        %neg3A_133 = arith.subf %neg3A_132, %add3A_131 : vector<16xf32>
        %exp3A = math.exp %neg3A_133 : vector<16xf32>
        %add3A_134 = arith.constant 1.000000e+00 : f32
        %add3A_135 = vector.broadcast %add3A_134 : f32 to vector<16xf32>
        %add3A_136 = arith.addf %add3A_135, %exp3A : vector<16xf32>
        %div3A_137 = arith.constant 1.000000e+00 : f32
        %div3A_138 = vector.broadcast %div3A_137 : f32 to vector<16xf32>
        %div3A_139 = arith.divf %div3A_138, %add3A_136 : vector<16xf32>
        %mul3A_140 = arith.mulf %rev3A_119, %div3A_139 : vector<16xf32>
        %cumsum3A = arith.constant true
        %cumsum3A_141 = vector.broadcast %cumsum3A : i1 to vector<16xi1>
        %cumsum3A_142 = tpu.scan <sum>, %rev3A_119 masked %cumsum3A_141 : vector<16xf32>, vector<16xi1> -> vector<16xf32>
        %add3A_143 = vector.broadcast %scan3A_105 : f32 to vector<16xf32>
        %add3A_144 = arith.addf %add3A_143, %cumsum3A_142 : vector<16xf32>
        %sub3A_145 = arith.subf %add3A_144, %rev3A_119 : vector<16xf32>
        %add3A_146 = arith.addf %broadcast_in_dim3A_78, %sub3A_145 : vector<16xf32>
        %add3A_147 = arith.addf %broadcast_in_dim3A_78, %add3A_144 : vector<16xf32>
        %mul3A_148 = arith.mulf %add3A_146, %add3A_147 : vector<16xf32>
        %max3A = arith.constant 1.000000e+00 : f32
        %max3A_149 = vector.broadcast %max3A : f32 to vector<16xf32>
        %max3A_150 = arith.maximumf %mul3A_148, %max3A_149 : vector<16xf32>
        %mul3A_151 = arith.mulf %broadcast_in_dim3A_78, %mul3A_140 : vector<16xf32>
        %div3A_152 = arith.divf %mul3A_151, %max3A_150 : vector<16xf32>
        %add3A_153 = arith.addf %scan3A_106, %div3A_152 : vector<16xf32>
        %eq3A_154 = arith.constant 0.000000e+00 : f32
        %eq3A_155 = vector.broadcast %eq3A_154 : f32 to vector<16xf32>
        %eq3A_156 = arith.cmpf oeq, %sub3A_145, %eq3A_155 : vector<16xf32>
        %gt3A_157 = arith.constant 0.000000e+00 : f32
        %gt3A_158 = vector.broadcast %gt3A_157 : f32 to vector<16xf32>
        %gt3A_159 = arith.cmpf ogt, %rev3A_119, %gt3A_158 : vector<16xf32>
        %and3A_160 = arith.andi %eq3A_156, %gt3A_159 : vector<16xi1>
        %select_n3A_161 = arith.select %and3A_160, %div3A_139, %scan3A_107 : vector<16xi1>, vector<16xf32>
        %reduce_sum3A_162 = arith.constant true
        %reduce_sum3A_163 = vector.broadcast %reduce_sum3A_162 : i1 to vector<16xi1>
        %reduce_sum3A_164 = tpu.scan <sum>, %rev3A_119 masked %reduce_sum3A_163 : vector<16xf32>, vector<16xi1> -> vector<16xf32>
        %reduce_sum3A_165 = vector.extract %reduce_sum3A_164[15] : f32 from vector<16xf32>
        %add3A_166 = arith.addf %scan3A_105, %reduce_sum3A_165 : f32
        scf.yield %add3A_166, %add3A_153, %select_n3A_161 : f32, vector<16xf32>, vector<16xf32>
      }
      %scan3A_86 = arith.constant 256 : i32
      %gt3A = arith.constant 0.000000e+00 : f32
      %gt3A_87 = arith.cmpf ogt, %reduce_sum3A_73, %gt3A : f32
      %reduce_sum3A_88 = arith.constant true
      %reduce_sum3A_89 = vector.broadcast %reduce_sum3A_88 : i1 to vector<16xi1>
      %reduce_sum3A_90 = tpu.scan <sum>, %scan3A_85#1 masked %reduce_sum3A_89 : vector<16xf32>, vector<16xi1> -> vector<16xf32>
      %reduce_sum3A_91 = vector.extract %reduce_sum3A_90[15] : f32 from vector<16xf32>
      %reduce_sum3A_92 = arith.constant true
      %reduce_sum3A_93 = vector.broadcast %reduce_sum3A_92 : i1 to vector<16xi1>
      %reduce_sum3A_94 = tpu.scan <sum>, %scan3A_85#2 masked %reduce_sum3A_93 : vector<16xf32>, vector<16xi1> -> vector<16xf32>
      %reduce_sum3A_95 = vector.extract %reduce_sum3A_94[15] : f32 from vector<16xf32>
      %select_n3A_96 = arith.select %gt3A_87, %reduce_sum3A_91, %reduce_sum3A_95 : f32
      %mul3A_97 = arith.constant 3.81469727E-6 : f32
      %mul3A_98 = arith.mulf %reduce_sum3A_77, %mul3A_97 : f32
      %sub3A_99 = arith.constant 1.000000e+00 : f32
      %sub3A_100 = arith.subf %sub3A_99, %mul3A_98 : f32
      %add3A_101 = arith.addf %sub3A_100, %select_n3A_96 : f32
      %broadcast_in_dim3A_102 = vector.broadcast %add3A_101 : f32 to vector<16xf32>
      %swap3A = arith.constant 0 : index
      %swap3A_103 = tpu.vector_load %arg12[%swap3A] {strides = array<i32>} : memref<16xf32, #tpu.memory_space<vmem>>, vector<16xf32>,
      tpu.vector_store %arg12[%swap3A], %broadcast_in_dim3A_102 {strides = array<i32>} : memref<16xf32, #tpu.memory_space<vmem>>, vector<16xf32>,
      "tpu.region"() ({
        %run_scoped3A_104 = tpu.sem_alloc : memref<!tpu.dma_semaphore, #tpu.memory_space<semaphore_mem>>
        %dma_start3A_105 = arith.constant 0 : i32
        %dma_start3A_106 = tpu.memref_slice %arg4[%add3A_30, %dma_start3A_105] : memref<16x16xf32, #tpu.memory_space<hbm>> -> memref<1x16xf32, #tpu.memory_space<hbm>>
        %dma_start3A_107 = tpu.memref_squeeze %dma_start3A_106 : memref<1x16xf32, #tpu.memory_space<hbm>> -> memref<16xf32, #tpu.memory_space<hbm>>
        %dma_start3A_108 = arith.constant 0 : i32
        %dma_start3A_109 = tpu.memref_slice %arg4[%add3A_30, %dma_start3A_108] : memref<16x16xf32, #tpu.memory_space<hbm>> -> memref<1x16xf32, #tpu.memory_space<hbm>>
        %dma_start3A_110 = tpu.memref_squeeze %dma_start3A_109 : memref<1x16xf32, #tpu.memory_space<hbm>> -> memref<16xf32, #tpu.memory_space<hbm>>
        tpu.enqueue_dma source(%arg12 : memref<16xf32, #tpu.memory_space<vmem>>) target(%dma_start3A_110 : memref<16xf32, #tpu.memory_space<hbm>>) target_semaphore(%run_scoped3A_104 : memref<!tpu.dma_semaphore, #tpu.memory_space<semaphore_mem>>)
        %dma_wait3A = arith.constant 0 : i32
        %dma_wait3A_111 = tpu.memref_slice %arg4[%add3A_30, %dma_wait3A] : memref<16x16xf32, #tpu.memory_space<hbm>> -> memref<1x16xf32, #tpu.memory_space<hbm>>
        %dma_wait3A_112 = tpu.memref_squeeze %dma_wait3A_111 : memref<1x16xf32, #tpu.memory_space<hbm>> -> memref<16xf32, #tpu.memory_space<hbm>>
        %dma_wait3A_113 = arith.constant 0 : i32
        %dma_wait3A_114 = tpu.memref_slice %arg4[%add3A_30, %dma_wait3A_113] : memref<16x16xf32, #tpu.memory_space<hbm>> -> memref<1x16xf32, #tpu.memory_space<hbm>>
        %dma_wait3A_115 = tpu.memref_squeeze %dma_wait3A_114 : memref<1x16xf32, #tpu.memory_space<hbm>> -> memref<16xf32, #tpu.memory_space<hbm>>
        tpu.wait_dma2 semaphore(%run_scoped3A_104 : memref<!tpu.dma_semaphore, #tpu.memory_space<semaphore_mem>>) src(%arg12 : memref<16xf32, #tpu.memory_space<vmem>>) dst(%dma_wait3A_115 : memref<16xf32, #tpu.memory_space<hbm>>)
        tpu.yield
      }) : () -> ()
    } else {
    }
    return
  }
}

</mosaic_0001>

<sc_bundles>
// kernel: kernel.3.cloned.1.call-start
scs
__scs_entry_jumppad:
0x0: {  	(pc) =	sbr.rel $0x88, $3  }
0x1: {  	(tag) =	ssettag $0x0;
	lr =	simm.s32 $0x1  }
0x2: {  	[smem:$0x3F9F] =	sst lr;
	_ =	strace $0xD0000000  }
0x3: {  	_ = 	snop  }
0x4: {  	_ = 	snop  }
0x5: {  	_ = 	snop  }
0x6: {  	_ = 	snop  }
0x7: {  	_ = 	snop  }
__scs_overlays_trampoline_lowered:
0x8: {  	[smem:$0x3FAE] =	sst s0  }
0x9: {  	[smem:$0x3FAF] =	sst s1  }
0xa: {  	[smem:$0x3FB0] =	sst s2  }
0xb: {  	[smem:$0x3FB1] =	sst s3  }
0xc: {  	[smem:$0x3FB2] =	sst s4  }
0xd: {  	[smem:$0x3FB3] =	sst s5  }
0xe: {  	[smem:$0x3FB4] =	sst s6  }
0xf: {  	[smem:$0x3FB5] =	sst s7  }
0x10: {  	[smem:$0x3FB6] =	sst s8  }
0x11: {  	[smem:$0x3FB7] =	sst s9;
	s0 =	simm.s32 @!p0 $0x0  }
0x12: {  	s1 =	sld [smem:$0x3F9D];
	s0 =	simm.s32 @p0 $0x1  }
0x13: {  	[smem:$0x3FB8] =	sst s0;
	s0 =	simm.s32 @!p1 $0x0  }
0x14: {  	s2 =	sld [smem:$0x3F9C];
	s0 =	simm.s32 @p1 $0x1  }
0x15: {  	[smem:$0x3FB9] =	sst s0;
	s0 =	simm.s32 @!p2 $0x0  }
0x16: {  	s3 =	sld [smem:$0x3FDB];
	s0 =	simm.s32 @p2 $0x1  }
0x17: {  	s4 =	simm.s32 $0x1BF5;
	[smem:$0x3FBB] =	sst s0  }
0x18: {  	s0 =	sld [smem:$0x3F9E];
	_ =	swait.ge [sflag:s4], $0x0  }
0x19: {  	s7 =	sld [smem:$0x3F9F]  }
0x1a: {  	s8 =	sadd.s32 $0xFFFFE003, lr  }
0x1b: {  	s9 =	sadd.s32 $0xFFFFFEF7, lr;
	s5 =	simm.s32 $0xFFFFFFFF;
	p2 =	slt.u32 s8, $0xFFFFF086  }
0x1c: {  	p1 =	slt.u32 s9, $0xF7A;
	s5 =	simm.s32 @!p2 $0x0  }
0x1d: {  	s5 =	simm.s32 @p1 $0x1;
	p0 =	seq.s32 s7, s2  }
0x1e: {  	s7 =	smul.u32 @!p0 $0xF7A, s2;
	p2 =	seq.s32 @!p0 s5, $0x0  }
0x1f: {  	s9 =	smul.u32 $0xF7A, s1;
	s8 =	simm.s32 @!p0 $0x1BF5;
	p2 =	por !p2, p0  }
0x20: {  	[sflag:s8] =	ssyncset.s32 @!p0 $0xFFFFF086;
	s6 =	sadd.s32 @!p0 s3, s7;
	s7 =	simm.s32 @!p0 $0x108  }
0x21: {  	s3 =	sadd.s32 s3, s9;
	s6 =	sadd.s32 @!p0 $0x88, s6;
	s7 =	simm.s32 @p2 $0x1082  }
0x22: {  	[simem:s7], [sflag:s8] =	dma.local @!p0 [hbm:s6], $0xF7A  }
0x23: {  	s9 =	sor.u32 $0xD0000000, s2;
	s6 =	simm.s32 $0x108;
	_ =	swait.ge @!p0 [sflag:s8], $0x0  }
0x24: {  	s3 =	sadd.s32 $0x88, s3;
	s6 =	simm.s32 @!p1 $0x1082;
	[sflag:s4] =	ssyncset.s32 $0xFFFFF086  }
0x25: {  	[simem:s6], [sflag:s4] =	dma.local [hbm:s3], $0xF7A  }
0x26: {  	[smem:$0x3F9F] =	sst s1;
	(tag) =	ssettag s2;
	_ =	strace s9  }
0x27: {  	s1 =	sld [smem:$0x3FAF]  }
0x28: {  	s2 =	sld [smem:$0x3FB0]  }
0x29: {  	s4 =	sld [smem:$0x3FB2]  }
0x2a: {  	p0 =	seq.s32 s5, $0x0;
	s5 =	sld [smem:$0x3FB3]  }
0x2b: {  	s6 =	sld [smem:$0x3FB4]  }
0x2c: {  	s7 =	sld [smem:$0x3FB5]  }
0x2d: {  	s3 =	simm.s32 $0x108;
	s8 =	sld [smem:$0x3FB6]  }
0x2e: {  	s3 =	simm.s32 @!p0 $0x1082;
	s9 =	sld [smem:$0x3FB7]  }
0x2f: {  	lr =	sadd.s32 s0, s3;
	s0 =	sld [smem:$0x3FAE]  }
0x30: {  	s3 =	sld [smem:$0x3FB1]  }
0x31: {  	[smem:$0x3FBA] =	sst s10  }
0x32: {  	s10 =	sld [smem:$0x3FB8];
	_ =	sdelay $0x3  }
0x33: {  	p0 =	seq.s32 s10, $0x1;
	s10 =	sld [smem:$0x3FBA];
	_ =	sdelay $0x3  }
0x34: {  	[smem:$0x3FBA] =	sst s10  }
0x35: {  	s10 =	sld [smem:$0x3FB9];
	_ =	sdelay $0x3  }
0x36: {  	p1 =	seq.s32 s10, $0x1;
	s10 =	sld [smem:$0x3FBA];
	_ =	sdelay $0x3  }
0x37: {  	[smem:$0x3FBA] =	sst s10  }
0x38: {  	s10 =	sld [smem:$0x3FBB]  }
0x39: {  	_ = 	snop;
	(pc) =	sbr.ind lr, $3  }
0x3a: {  	_ = 	snop  }
0x3b: {  	_ = 	snop  }
0x3c: {  	p2 =	seq.s32 s10, $0x1;
	s10 =	sld [smem:$0x3FBA]  }
0x3d: {  	_ =	shalt  }
0x3e: {  	_ =	shalt  }
0x3f: {  	_ =	shalt  }
0x40: {  	_ =	shalt  }
0x41: {  	_ =	shalt  }
0x42: {  	_ =	shalt  }
0x43: {  	_ =	shalt  }
0x44: {  	_ =	shalt  }
0x45: {  	_ =	shalt  }
0x46: {  	_ =	shalt  }
0x47: {  	_ =	shalt  }
0x48: {  	_ =	shalt  }
0x49: {  	_ =	shalt  }
0x4a: {  	_ =	shalt  }
0x4b: {  	_ =	shalt  }
0x4c: {  	_ =	shalt  }
0x4d: {  	_ =	shalt  }
0x4e: {  	_ =	shalt  }
0x4f: {  	_ =	shalt  }
0x50: {  	_ =	shalt  }
0x51: {  	_ =	shalt  }
0x52: {  	_ =	shalt  }
0x53: {  	_ =	shalt  }
0x54: {  	_ =	shalt  }
0x55: {  	_ =	shalt  }
0x56: {  	_ =	shalt  }
0x57: {  	_ =	shalt  }
0x58: {  	_ =	shalt  }
0x59: {  	_ =	shalt  }
0x5a: {  	_ =	shalt  }
0x5b: {  	_ =	shalt  }
0x5c: {  	_ =	shalt  }
0x5d: {  	_ =	shalt  }
0x5e: {  	_ =	shalt  }
0x5f: {  	_ =	shalt  }
0x60: {  	_ =	shalt  }
0x61: {  	_ =	shalt  }
0x62: {  	_ =	shalt  }
0x63: {  	_ =	shalt  }
0x64: {  	_ =	shalt  }
0x65: {  	_ =	shalt  }
0x66: {  	_ =	shalt  }
0x67: {  	_ =	shalt  }
0x68: {  	_ =	shalt  }
0x69: {  	_ =	shalt  }
0x6a: {  	_ =	shalt  }
0x6b: {  	_ =	shalt  }
0x6c: {  	_ =	shalt  }
0x6d: {  	_ =	shalt  }
0x6e: {  	_ =	shalt  }
0x6f: {  	_ =	shalt  }
0x70: {  	_ =	shalt  }
0x71: {  	_ =	shalt  }
0x72: {  	_ =	shalt  }
0x73: {  	_ =	shalt  }
0x74: {  	_ =	shalt  }
0x75: {  	_ =	shalt  }
0x76: {  	_ =	shalt  }
0x77: {  	_ =	shalt  }
0x78: {  	_ =	shalt  }
0x79: {  	_ =	shalt  }
0x7a: {  	_ =	shalt  }
0x7b: {  	_ =	shalt  }
0x7c: {  	_ =	shalt  }
0x7d: {  	_ =	shalt  }
0x7e: {  	_ =	shalt  }
0x7f: {  	_ =	shalt  }
0x80: {  	_ =	shalt  }
0x81: {  	_ =	shalt  }
0x82: {  	_ =	shalt  }
0x83: {  	_ =	shalt  }
0x84: {  	_ =	shalt  }
0x85: {  	_ =	shalt  }
0x86: {  	_ =	shalt  }
0x87: {  	_ =	shalt  }
.Lfunc_end0:
.L_simem_size_0:
called_computation_lowered:
.L_overlay_start_0:
0x88: {  	s2 =	sld [smem:$0x3FD9]  }
0x89: {  	s3 =	sld [smem:$0x3FFE];
	_ =	sdelay $0x1  }
0x8a: {  	s1 =	srdreg.scid  }
0x8b: {  	s0 =	sand.u32 $0x1, s1  }
0x8c: {  	s16 =	sshll.u32 s0, $0xA;
	s2 =	sadd.s32 s3, s2  }
0x8d: {  	s2 =	sadd.s32 s2, s16  }
0x8e: {  	[smem:$0x3FC6] =	sst s2  }
0x8f: {  	_ = 	snop  }
0x90: {  	(tm) =	ssettm $0x1  }
0x91: {  	s17 =	sld [smem:$0x3FFB];
	_ =	sdelay $0x3  }
0x92: {  	_ =	strace s17  }
0x93: {  	s2 =	sld [smem:$0x3FFC];
	_ =	sdelay $0x3  }
0x94: {  	_ =	strace s2  }
0x95: {  	s2 =	sld [smem:$0x3FFD];
	_ =	sdelay $0x3  }
0x96: {  	_ =	strace s2  }
0x97: {  	_ =	strace $0x8FFFFFFF  }
0x98: {  	s18 =	sld [smem:$0x3FDB];
	_ =	sdelay $0x1  }
0x99: {  	s19 =	simm.s32 $_scs_section_size  }
0x9a: {  	s4 =	simm.s32 $_size__tile_overlayer_lowered;
	s5 =	simm.s32 $_tile_overlayer_lowered  }
0x9b: {  	s22 =	simm.s32 $0x1BFF;
	s21 =	sshll.u32 s5, $0x1;
	s2 =	sadd.s32 s19, s18  }
0x9c: {  	s6 =	simm.s32 $0x0;
	s20 =	sshll.u32 s4, $0x1;
	s4 =	sadd.s32 s21, s2  }
0x9d: {  	[timem:s6], [sflag:s22] =	dma.local [hbm:s4], s20  }
0x9e: {  	_ =	swait.ge [sflag:s22], s20  }
0x9f: {  	s3 =	ssub.s32 $0x0, s20;
	[sflag:s22] =	ssyncset.done $0x0  }
0xa0: {  	[sflag:s22] =	ssyncadd.s32 s3;
	_ =	sdelay $0x1  }
0xa1: {  	s23 =	simm.s32 $0x1B8B  }
0xa2: {  	_ =	swait.ge [sflag:s23], $0x1  }
0xa3: {  	[sflag:s23] =	ssyncset.done $0x0  }
0xa4: {  	s25 =	simm.s32 $0x1B8E;
	s24 =	sld [smem:$0x3FFE];
	[sflag:s23] =	ssyncadd.s32 $0xFFFFFFFF  }
0xa5: {  	s26 =	simm.s32 $execute0_lowered;
	[smem:$0x3FD2] =	sst s25  }
0xa6: {  	s4 =	sshll.u32 s26, $0x1;
	_ =	strace $0x80000046;
	[dreg:$0x1] =	wrdreg $0xFFFFFFFF  }
0xa7: {  	s28 =	simm.s32 $_size_execute0_lowered;
	s2 =	sadd.s32 s2, s4;
	[dreg:$0x0] =	wrdreg $0x0  }
0xa8: {  	s4 =	sshll.u32 s28, $0x1;
	[dreg:$0x2] =	wrdreg s2  }
0xa9: {  	[dreg:$0x3] =	wrdreg s4  }
0xaa: {  	[dreg:$0x4] =	wrdreg $0xC0  }
0xab: {  	_ =	task [dreg:s6], $0x5FFFF  }
0xac: {  	[dreg:$0x1] =	wrdreg $0xFFFFFFFF  }
0xad: {  	[dreg:$0x0] =	wrdreg $0x60  }
0xae: {  	[dreg:$0x2] =	wrdreg s24  }
0xaf: {  	[dreg:$0x3] =	wrdreg $0x120800  }
0xb0: {  	[dreg:$0x4] =	wrdreg $0x9  }
0xb1: {  	_ =	task.clear_ibuf [dreg:s6], $0x5FFFF;
	_ =	strace $0x90000046  }
0xb2: {  	s29 =	simm.s32 $0x9;
	_ =	strace $0x80000048  }
0xb3: {  	_ =	swait.ge [sflag:s29], $0x1  }
0xb4: {  	[sflag:s29] =	ssyncadd.s32 $0xFFFFFFFF  }
0xb5: {  	_ =	strace $0x90000048  }
0xb6: {  	_ =	sfence  }
0xb7: {  	s30 =	sld [smem:$0x0];
	_ =	sdelay $0x2  }
0xb8: {  	s31 =	sshll.u32 s1, $0xD;
	s1 =	sshrl.u32 s1, $0x2  }
0xb9: {  	s3 =	sand.u32 $0x4000, s31;
	s1 =	sadd.s32 s1, s30  }
0xba: {  	s0 =	sor.u32 s3, s0;
	s1 =	sshll.u32 s1, $0x11  }
0xbb: {  	s0 =	sor.u32 s1, s0  }
0xbc: {  	s0 =	sadd.s32 $0x8F2B, s0  }
0xbd: {  	[sflag:s0] =	ssyncadd.remote.s32 $0x1  }
0xbe: {  	_ =	sfence.sel $0xFFFF  }
0xbf: {  	[dreg:$0x0] =	wrdreg $0xFFFFFFFF;
	(pc) =	sbr.abs _section_cstart, $3  }
0xc0: {  	[dreg:$0x1] =	wrdreg $0xFFFFFFFF  }
0xc1: {  	_ =	task.clear_ibuf [dreg:s6], $0x2FFFF;
	_ =	strace $0x9FFFFFFF  }
0xc2: {  	(tm) =	ssettm $0x7FFFFFFF  }
0xc3: {  	_ =	shalt  }
tec
execute0_lowered:
.L_overlay_start_1:
0x0: {  	(tag) =	ssettag $0x1  }
0x1: {  	s2 =	rddreg [dreg:$0x0];
	v0 =	vimm.f32 $0.0e+00  }
0x2: {  	s8 =	rddreg [dreg:$0x1];
	s0 =	simm.s32 $0x0;
	v1 =	vimm.f32 $1.000000000e+00;
	v2 =	vimm.f32 $1.500000000e+01;
	vm0 =	vcmask $0x300;
	s22 =	srdreg.scid  }
0x3: {  	s1 =	stileid.u32;
	vm1 =	vcmask $0x704;
	v3 =	vimm.f32 $-1.500000000e+01;
	vm2 =	vcmask $0xB08;
	s13 =	simm.s32 $0x80;
	s14 =	simm.s32 $0x400  }
0x4: {  	vm4 =	vcmask $0xF0C;
	s15 =	simm.s32 $0x8000;
	s16 =	simm.s32 $0x4000;
	s17 =	simm.s32 $0xC000;
	v2 =	vsel vm0, $0x0, v2;
	v3 =	vsel vm0, $0x80000000, v3  }
0x5: {  	vm5 =	vcmask $0x1310;
	s18 =	simm.s32 $0x1;
	s19 =	simm.s32 $0x3;
	s20 =	simm.s32 $0x10000;
	v2 =	vsel vm1, $0x3F800000, v2;
	v3 =	vsel vm1, $0xBF800000, v3  }
0x6: {  	vm6 =	vcmask $0x1714;
	s21 =	simm.s32 $0x2;
	s28 =	simm.s32 $0x0;
	[smem:$0x7FF] =	sst s0;
	v2 =	vsel vm2, $0x40000000, v2;
	v3 =	vsel vm2, $0xC0000000, v3  }
0x7: {  	vm7 =	vcmask $0x1B18;
	s3 =	sadd.s32 $0x200, s2;
	s5 =	sand.u32 $0x1, s22;
	s6 =	sshrl.u32 s1, $0x1;
	v2 =	vsel vm4, $0x40400000, v2;
	v3 =	vsel vm4, $0xC0400000, v3  }
0x8: {  	vm8 =	vcmask $0x1F1C;
	s23 =	sand.u32 $0x1, s1;
	s4 =	sadd.s32 $0x80200, s2;
	s22 =	simm.s32 $0x4;
	v2 =	vsel vm5, $0x40800000, v2;
	v3 =	vsel vm5, $0xC0800000, v3  }
0x9: {  	vm9 =	vcmask $0x2320;
	_ =	strace $0x80000047;
	s7 =	sshll.u32 s6, $0x7;
	s9 =	sshll.u32 s5, $0xA;
	v2 =	vsel vm6, $0x40A00000, v2;
	v3 =	vsel vm6, $0xC0A00000, v3  }
0xa: {  	vm10 =	vcmask $0x2724;
	s10 =	sshll.u32 s23, $0x14;
	s11 =	sshll.u32 s5, $0x15;
	s24 =	ssub.s32 $0x2, s5;
	v2 =	vsel vm7, $0x40C00000, v2;
	v3 =	vsel vm7, $0xC0C00000, v3  }
0xb: {  	vm11 =	vcmask $0x2B28;
	s25 =	smul.u32 $0x10400, s6;
	s31 =	sshll.u32 s23, $0x7;
	p0 =	sne.s32 s23, $0x0;
	v2 =	vsel vm8, $0x40E00000, v2;
	v3 =	vsel vm8, $0xC0E00000, v3  }
0xc: {  	vm12 =	vcmask $0x2F2C;
	s23 =	simm.s32 $0x100;
	s9 =	sor.u32 s9, s7;
	s7 =	sor.u32 s7, s10;
	v2 =	vsel vm9, $0x41000000, v2;
	v3 =	vsel vm9, $0xC1000000, v3  }
0xd: {  	vm13 =	vcmask $0x3330;
	s26 =	sshrl.u32 s24, $0x1;
	s9 =	sshrl.u32 s9, $0x3;
	s5 =	sor.u32 s7, s11;
	v2 =	vsel vm10, $0x41100000, v2;
	v3 =	vsel vm10, $0xC1100000, v3  }
.Ltmp0:
0xe: {  	v4 =	vlaneseq.u32;
	s12 =	ssub.s32 s24, s26;
	s30 =	sshrl.u32 s25, $0x2;
	v2 =	vsel vm11, $0x41200000, v2;
	v3 =	vsel vm11, $0xC1200000, v3;
	(pc) =	sbr.rel .LBB2_1-.Ltmp0, $4  }
0xf: {  	vm14 =	vcmask $0x3734;
	s24 =	simm.s32 $0x5;
	s26 =	simm.s32 $0x16918;
	s2 =	sadd.s32 s9, s2;
	v2 =	vsel vm12, $0x41300000, v2;
	v3 =	vsel vm12, $0xC1300000, v3  }
0x10: {  	v4 =	vmul.u32 $0xFFFFFFFF, v4;
	s29 =	sshrl.u32 s5, $0x3;
	s10 =	sadd.s32 s30, s8;
	s8 =	sor.u32 $0x40000, s5;
	v2 =	vsel vm13, $0x41400000, v2;
	v3 =	vsel vm13, $0xC1400000, v3  }
0x11: {  	vm15 =	vcmask $0x3B38;
	s12 =	smax.u32 s12, $0x1;
	s6 =	sadd.s32 s3, s29;
	s7 =	sadd.s32 s4, s29;
	v2 =	vsel vm14, $0x41500000, v2;
	v5 =	vsel vm14, $0xC1500000, v3  }
0x12: {  	s9 =	sadd.s32 s31, s10;
	s10 =	sadd.s32 $0x80, s10;
	s11 =	sadd.s32 $0x100200, s2;
	v3 =	vadd.s32 $0xF, v4;
	v2 =	vsel vm15, $0x41600000, v2;
	v4 =	vsel vm15, $0xC1600000, v5  }
.LBB2_15:
0x13: {  	s28 =	sadd.s32 $0x1, s28  }
0x14: {  	p1 =	sne.s32 s28, s12  }
.Ltmp1:
0x15: {  	_ = 	snop;
	(pc) =	sbr.rel @!p1 .LBB2_16-.Ltmp1, $1  }
0x16: {  	_ =	sdelay $0x3  }
.LBB2_1:
0x17: {  	s0 =	simm.s32 $0x40;
	s2 =	simm.s32 $0x0  }
.LBB2_2:
0x18: {  	p1 =	sne.s32 s0, $0x8000;
	[tilespmem:s2+$0x10000] =	vst v0;
	s2 =	smov.u32 s0;
	s0 =	sadd.s32 $0x40, s0  }
.Ltmp2:
0x19: {  	(pc) =	sbr.rel @p1 .LBB2_2-.Ltmp2, $2  }
0x1a: {  	_ =	sdelay $0x2  }
0x1b: {  	s2 =	sshra.s32 s2, $0x2  }
0x1c: {  	[tilespmem:s2+$0x10000] =	vst v0;
	s29 =	simm.s32 $0x0  }
0x1d: {  	[tilespmem:s29], [sflag:$0x1] =	stream.strided.gather [hbm4b:s6+s13], $0x4000, s14, s13, $0x38;
	[tilespmem:$0x16998] =	vst v63  }
0x1e: {  	_ = 	snop  }
0x1f: {  	[tilespmem:s15], [sflag:$0x3] =	stream.strided.gather [hbm4b:s7+s13], $0x4000, s14, s13, $0x38;
	[tilespmem:$0x16998] =	vst v63  }
.LBB2_4:
0x20: {  	s30 =	sshll.u32 s29, $0x12  }
0x21: {  	s0 =	sor.u32 s30, s5  }
0x22: {  	s0 =	sshrl.u32 s0, $0x3  }
0x23: {  	s0 =	sor.u32 $0x4000, s0  }
0x24: {  	s1 =	simm.s32 $0x80;
	s2 =	sadd.s32 s3, s0  }
0x25: {  	[tilespmem:s16], [sflag:$0x2] =	stream.strided.gather [hbm4b:s2+s1], $0x4000, s14, s1, $0x38;
	[tilespmem:$0x16998] =	vst v63  }
0x26: {  	s0 =	sadd.s32 s4, s0  }
0x27: {  	[tilespmem:s17], [sflag:$0x4] =	stream.strided.gather [hbm4b:s0+s1], $0x4000, s14, s1, $0x38;
	[tilespmem:$0x16998] =	vst v63  }
0x28: {  	_ =	swait.ge [sflag:s18], $0x4000  }
0x29: {  	[sflag:s18] =	ssyncset.done $0x0  }
0x2a: {  	[sflag:s18] =	ssyncadd.s32 $0xFFFFC000  }
0x2b: {  	_ =	swait.ge [sflag:s19], $0x4000  }
0x2c: {  	[sflag:s19] =	ssyncset.done $0x0  }
0x2d: {  	[sflag:s19] =	ssyncadd.s32 $0xFFFFC000  }
0x2e: {  	v5 =	vld [tilespmem:s1+$0x70]  }
0x2f: {  	v6 =	vld [tilespmem:s1+$0xFFFFFF90]  }
0x30: {  	v7 =	vld [tilespmem:s1+$0xFFFFFFA0]  }
0x31: {  	v8 =	vld [tilespmem:s1+$0xFFFFFFB0]  }
0x32: {  	v10 =	vld [tilespmem:s1+$0xFFFFFFD0]  }
0x33: {  	v11 =	vld [tilespmem:s1+$0xFFFFFFE0]  }
0x34: {  	v12 =	vld [tilespmem:s1+$0xFFFFFFF0]  }
0x35: {  	v13 =	vld [tilespmem:s1+$0x0]  }
0x36: {  	v20 =	vld [tilespmem:s1+$0x60];
	v5 =	vadd.f32 $1.300000000e+01, v5;
	v6 =	vadd.f32 $1.300000000e+01, v6  }
0x37: {  	v9 =	vld [tilespmem:s1+$0xFFFFFFC0];
	v7 =	vadd.f32 $1.300000000e+01, v7;
	v8 =	vadd.f32 $1.300000000e+01, v8  }
0x38: {  	v10 =	vadd.f32 $1.300000000e+01, v10;
	v11 =	vadd.f32 $1.300000000e+01, v11  }
0x39: {  	v12 =	vadd.f32 $1.300000000e+01, v12;
	v5 =	vmul.f32 $1.575384670e+02, v5;
	v6 =	vmul.f32 $1.575384670e+02, v6  }
0x3a: {  	v13 =	vadd.f32 $1.300000000e+01, v13;
	v7 =	vmul.f32 $1.575384670e+02, v7;
	v8 =	vmul.f32 $1.575384670e+02, v8  }
0x3b: {  	v20 =	vadd.f32 $1.300000000e+01, v20;
	v10 =	vmul.f32 $1.575384670e+02, v10;
	v11 =	vmul.f32 $1.575384670e+02, v11  }
0x3c: {  	v9 =	vadd.f32 $1.300000000e+01, v9;
	v12 =	vmul.f32 $1.575384670e+02, v12;
	v13 =	vmul.f32 $1.575384670e+02, v13  }
0x3d: {  	s31 =	simm.s32 $0x8080;
	v20 =	vmul.f32 $1.575384670e+02, v20;
	v5 =	vtrunc.f32 v5  }
0x3e: {  	v14 =	vld [tilespmem:s31+$0x70];
	v16 =	vtrunc.f32 v6;
	v6 =	vmul.f32 $1.575384670e+02, v9  }
0x3f: {  	v15 =	vld [tilespmem:s1+$0x10];
	v22 =	vtrunc.f32 v7;
	v23 =	vtrunc.f32 v8  }
0x40: {  	v17 =	vld [tilespmem:s1+$0x30];
	v10 =	vtrunc.f32 v10;
	v11 =	vtrunc.f32 v11  }
0x41: {  	v18 =	vld [tilespmem:s1+$0x40];
	v12 =	vtrunc.f32 v12;
	v13 =	vtrunc.f32 v13  }
0x42: {  	v21 =	vld [tilespmem:s1+$0xFFFFFF80];
	v20 =	vtrunc.f32 v20;
	v5 =	vcvt.f32.s32 v5  }
0x43: {  	v19 =	vld [tilespmem:s1+$0x50];
	v16 =	vcvt.f32.s32 v16;
	v22 =	vcvt.f32.s32 v22  }
0x44: {  	v14 =	vshll.u32 v14, $0xC;
	v23 =	vcvt.f32.s32 v23;
	v10 =	vcvt.f32.s32 v10  }
0x45: {  	v15 =	vadd.f32 $1.300000000e+01, v15;
	v11 =	vcvt.f32.s32 v11;
	v12 =	vcvt.f32.s32 v12  }
0x46: {  	v8 =	vadd.f32 $1.300000000e+01, v17;
	v13 =	vcvt.f32.s32 v13;
	v20 =	vcvt.f32.s32 v20  }
0x47: {  	v21 =	vadd.f32 $1.300000000e+01, v21;
	v24 =	vtrunc.f32 v6;
	v6 =	vmul.f32 $1.575384670e+02, v15  }
0x48: {  	v15 =	vadd.f32 $1.300000000e+01, v18;
	v8 =	vmul.f32 $1.575384670e+02, v8;
	v18 =	vadd.f32 $1.300000000e+01, v19  }
0x49: {  	vm0 =	vgt.s32 v5, $0x0;
	v24 =	vcvt.f32.s32 v24;
	vm1 =	vgt.s32 v16, $0x0  }
0x4a: {  	vm2 =	vgt.s32 v22, $0x0;
	vm3 =	vgt.s32 v23, $0x0;
	vm5 =	vgt.s32 v10, $0x0  }
0x4b: {  	v9 =	vld [tilespmem:s1+$0x20];
	vm6 =	vgt.s32 v11, $0x0;
	vm7 =	vgt.s32 v12, $0x0;
	vm8 =	vgt.s32 v13, $0x0  }
0x4c: {  	v17 =	vld [tilespmem:s31+$0xFFFFFF90];
	vm14 =	vgt.s32 v20, $0x0;
	v5 =	vnsel vm0, $0x0, v5;
	v15 =	vmul.f32 $1.575384670e+02, v15  }
0x4d: {  	v18 =	vmul.f32 $1.575384670e+02, v18;
	v27 =	vtrunc.f32 v6;
	v16 =	vnsel vm1, $0x0, v16  }
0x4e: {  	v40 =	vld [tilespmem:s31+$0xFFFFFFF0];
	v22 =	vnsel vm2, $0x0, v22;
	v23 =	vnsel vm3, $0x0, v23;
	v10 =	vnsel vm5, $0x0, v10  }
0x4f: {  	v11 =	vnsel vm6, $0x0, v11;
	v12 =	vnsel vm7, $0x0, v12;
	v13 =	vnsel vm8, $0x0, v13  }
0x50: {  	v38 =	vnsel vm14, $0x0, v20;
	v5 =	vmin.u32 v5, $0xFFF;
	v7 =	vadd.f32 $1.300000000e+01, v9  }
0x51: {  	v6 =	vshll.u32 v17, $0xC;
	v17 =	vtrunc.f32 v8;
	vm4 =	vgt.s32 v24, $0x0  }
0x52: {  	v9 =	vld [tilespmem:s31+$0xFFFFFF80];
	v20 =	vmin.u32 v23, $0xFFF;
	v36 =	vmin.u32 v11, $0xFFF;
	v34 =	vmin.u32 v12, $0xFFF  }
0x53: {  	v19 =	vld [tilespmem:s31+$0xFFFFFFA0];
	v12 =	vshll.u32 v40, $0xC;
	v15 =	vtrunc.f32 v15;
	v18 =	vtrunc.f32 v18  }
0x54: {  	v25 =	vld [tilespmem:s31+$0xFFFFFFB0];
	v14 =	vor.u32 v14, v5;
	v17 =	vcvt.f32.s32 v17;
	v15 =	vcvt.f32.s32 v15  }
0x55: {  	v26 =	vld [tilespmem:s31+$0xFFFFFFC0];
	v24 =	vnsel vm4, $0x0, v24;
	v7 =	vmul.f32 $1.575384670e+02, v7;
	v18 =	vcvt.f32.s32 v18  }
0x56: {  	v37 =	vld [tilespmem:s31+$0xFFFFFFD0];
	v35 =	vmin.u32 v24, $0xFFF;
	vm11 =	vgt.s32 v17, $0x0;
	vm12 =	vgt.s32 v15, $0x0  }
0x57: {  	v39 =	vld [tilespmem:s31+$0xFFFFFFE0];
	vm13 =	vgt.s32 v18, $0x0;
	v5 =	vshll.u32 v9, $0xC;
	v9 =	vmul.f32 $1.575384670e+02, v21  }
0x58: {  	v28 =	vld [tilespmem:s31+$0x30];
	v17 =	vnsel vm11, $0x0, v17;
	v21 =	vtrunc.f32 v7;
	v7 =	vshll.u32 v19, $0xC  }
0x59: {  	v29 =	vld [tilespmem:s31+$0x40];
	v31 =	vnsel vm12, $0x0, v15;
	v32 =	vnsel vm13, $0x0, v18;
	v8 =	vtrunc.f32 v9  }
0x5a: {  	[tilespmem:v14+s20+$0x0] =	vst.idx.add.f32.msk $0xffff, v1;
	v19 =	vcvt.f32.s32 v8;
	v8 =	vshll.u32 v25, $0xC;
	v25 =	vcvt.f32.s32 v27  }
0x5b: {  	v15 =	vmin.u32 v22, $0xFFF;
	v21 =	vcvt.f32.s32 v21;
	v9 =	vshll.u32 v26, $0xC;
	v26 =	vld [tilespmem:s31+$0x10]  }
0x5c: {  	v11 =	vmin.u32 v31, $0xFFF;
	v32 =	vmin.u32 v32, $0xFFF;
	v27 =	vld [tilespmem:s31+$0x20];
	vm9 =	vgt.s32 v25, $0x0  }
0x5d: {  	vm10 =	vgt.s32 v21, $0x0;
	vm0 =	vgt.s32 v19, $0x0;
	v30 =	vnsel vm9, $0x0, v25;
	v25 =	vld [tilespmem:s31+$0x0]  }
0x5e: {  	v21 =	vnsel vm10, $0x0, v21;
	v14 =	vnsel vm0, $0x0, v19;
	v33 =	vmin.u32 v30, $0xFFF;
	v30 =	vld [tilespmem:s31+$0x50]  }
0x5f: {  	v31 =	vld [tilespmem:s31+$0x60];
	v19 =	vmin.u32 v16, $0xFFF;
	v16 =	vmin.u32 v10, $0xFFF;
	v10 =	vmin.u32 v17, $0xFFF  }
0x60: {  	v17 =	vmin.u32 v38, $0xFFF;
	v38 =	vshll.u32 v37, $0xC;
	v37 =	vshll.u32 v39, $0xC  }
0x61: {  	s2 =	simm.s32 $0x180;
	s0 =	simm.s32 $0x0;
	v18 =	vmin.u32 v14, $0xFFF;
	v14 =	vmin.u32 v13, $0xFFF;
	v13 =	vmin.u32 v21, $0xFFF  }
.LBB2_5:
0x62: {  	v39 =	vld [tilespmem:s2+$0x70];
	s0 =	sadd.s32 $0x10, s0;
	v25 =	vshll.u32 v25, $0xC;
	v26 =	vshll.u32 v26, $0xC;
	v27 =	vshll.u32 v27, $0xC  }
0x63: {  	v28 =	vshll.u32 v28, $0xC;
	v29 =	vshll.u32 v29, $0xC;
	v30 =	vshll.u32 v30, $0xC;
	v40 =	vld [tilespmem:s2+$0xFFFFFF90];
	p1 =	slt.u32 s0, $0x3F0  }
0x64: {  	v24 =	vor.u32 v5, v18;
	v23 =	vor.u32 v6, v19;
	v31 =	vshll.u32 v31, $0xC;
	v41 =	vld [tilespmem:s2+$0xFFFFFFA0]  }
0x65: {  	v22 =	vor.u32 v7, v15;
	v21 =	vor.u32 v8, v20;
	v20 =	vor.u32 v9, v35;
	v5 =	vld [tilespmem:s2+$0xFFFFFFB0]  }
0x66: {  	v19 =	vor.u32 v38, v16;
	v18 =	vor.u32 v37, v36;
	v16 =	vor.u32 v12, v34;
	v6 =	vld [tilespmem:s2+$0xFFFFFFC0]  }
0x67: {  	v15 =	vor.u32 v25, v14;
	v14 =	vor.u32 v26, v33;
	v7 =	vld [tilespmem:s2+$0xFFFFFFD0];
	v8 =	vadd.f32 $1.300000000e+01, v39  }
0x68: {  	v13 =	vor.u32 v27, v13;
	v10 =	vor.u32 v28, v10;
	v9 =	vadd.f32 $1.300000000e+01, v40;
	v25 =	vld [tilespmem:s2+$0xFFFFFFE0]  }
0x69: {  	v11 =	vor.u32 v29, v11;
	v26 =	vadd.f32 $1.300000000e+01, v41;
	v27 =	vld [tilespmem:s2+$0xFFFFFFF0];
	v8 =	vmul.f32 $1.575384670e+02, v8  }
0x6a: {  	s31 =	sadd.s32 $0x100, s31;
	v12 =	vor.u32 v30, v32;
	v9 =	vmul.f32 $1.575384670e+02, v9;
	v5 =	vadd.f32 $1.300000000e+01, v5;
	v28 =	vld [tilespmem:s2+$0x0]  }
0x6b: {  	v26 =	vmul.f32 $1.575384670e+02, v26;
	v6 =	vadd.f32 $1.300000000e+01, v6;
	v29 =	vld [tilespmem:s31+$0x70];
	v8 =	vtrunc.f32 v8  }
0x6c: {  	v5 =	vmul.f32 $1.575384670e+02, v5;
	v7 =	vadd.f32 $1.300000000e+01, v7;
	v30 =	vld [tilespmem:s2+$0x10];
	v8 =	vcvt.f32.s32 v8  }
0x6d: {  	v9 =	vtrunc.f32 v9;
	v6 =	vmul.f32 $1.575384670e+02, v6;
	v25 =	vadd.f32 $1.300000000e+01, v25;
	v32 =	vld [tilespmem:s2+$0x20]  }
0x6e: {  	v7 =	vmul.f32 $1.575384670e+02, v7;
	v27 =	vadd.f32 $1.300000000e+01, v27;
	v33 =	vld [tilespmem:s2+$0x30];
	vm0 =	vgt.s32 v8, $0x0  }
0x6f: {  	v25 =	vmul.f32 $1.575384670e+02, v25;
	v28 =	vadd.f32 $1.300000000e+01, v28;
	v34 =	vld [tilespmem:s2+$0x40];
	v8 =	vnsel vm0, $0x0, v8  }
0x70: {  	v27 =	vmul.f32 $1.575384670e+02, v27;
	v35 =	vld [tilespmem:s2+$0x50];
	v8 =	vmin.u32 v8, $0xFFF;
	v29 =	vshll.u32 v29, $0xC  }
0x71: {  	v28 =	vmul.f32 $1.575384670e+02, v28;
	v30 =	vadd.f32 $1.300000000e+01, v30;
	v36 =	vld [tilespmem:s2+$0x60];
	v8 =	vor.u32 v29, v8  }
0x72: {  	v26 =	vtrunc.f32 v26;
	v37 =	vtrunc.f32 v5;
	v29 =	vld [tilespmem:s2+$0xFFFFFF80];
	v5 =	vadd.f32 $1.300000000e+01, v32  }
0x73: {  	v38 =	vtrunc.f32 v6;
	v32 =	vld [tilespmem:s31+$0xFFFFFF80];
	v6 =	vmul.f32 $1.575384670e+02, v30;
	v30 =	vadd.f32 $1.300000000e+01, v33  }
0x74: {  	v39 =	vtrunc.f32 v7;
	v33 =	vld [tilespmem:s31+$0xFFFFFF90];
	v7 =	vmul.f32 $1.575384670e+02, v5;
	v5 =	vadd.f32 $1.300000000e+01, v34  }
0x75: {  	v40 =	vtrunc.f32 v25;
	v34 =	vld [tilespmem:s31+$0xFFFFFFA0];
	v25 =	vmul.f32 $1.575384670e+02, v30;
	v30 =	vadd.f32 $1.300000000e+01, v35  }
0x76: {  	v35 =	vtrunc.f32 v27;
	v27 =	vmul.f32 $1.575384670e+02, v5;
	v36 =	vadd.f32 $1.300000000e+01, v36;
	[tilespmem:v8+s20+$0x0] =	vst.idx.add.f32.msk $0xffff, v1  }
0x77: {  	v41 =	vtrunc.f32 v28;
	v8 =	vadd.f32 $1.300000000e+01, v29;
	v29 =	vld [tilespmem:s31+$0xFFFFFFB0];
	v28 =	vmul.f32 $1.575384670e+02, v30  }
0x78: {  	v5 =	vshll.u32 v32, $0xC;
	v30 =	vld [tilespmem:s31+$0xFFFFFFC0];
	v32 =	vtrunc.f32 v6;
	v36 =	vmul.f32 $1.575384670e+02, v36  }
0x79: {  	v8 =	vmul.f32 $1.575384670e+02, v8;
	v6 =	vshll.u32 v33, $0xC;
	v42 =	vld [tilespmem:s31+$0xFFFFFFD0];
	v33 =	vtrunc.f32 v7  }
0x7a: {  	v44 =	vtrunc.f32 v27;
	v7 =	vshll.u32 v34, $0xC;
	v43 =	vld [tilespmem:s31+$0xFFFFFFE0];
	v34 =	vtrunc.f32 v25  }
0x7b: {  	v47 =	vor.u32 v31, v17;
	v46 =	vtrunc.f32 v28;
	v8 =	vtrunc.f32 v8;
	v45 =	vld [tilespmem:s31+$0xFFFFFFF0]  }
0x7c: {  	v36 =	vtrunc.f32 v36;
	v17 =	vcvt.f32.s32 v8;
	v8 =	vshll.u32 v29, $0xC;
	v25 =	vld [tilespmem:s31+$0x0]  }
0x7d: {  	v48 =	vcvt.f32.s32 v9;
	v49 =	vcvt.f32.s32 v26;
	v9 =	vshll.u32 v30, $0xC;
	v26 =	vld [tilespmem:s31+$0x10]  }
0x7e: {  	v37 =	vcvt.f32.s32 v37;
	v38 =	vcvt.f32.s32 v38;
	vm0 =	vgt.s32 v17, $0x0;
	v27 =	vld [tilespmem:s31+$0x20]  }
0x7f: {  	vm1 =	vgt.s32 v48, $0x0;
	v39 =	vcvt.f32.s32 v39;
	v40 =	vcvt.f32.s32 v40;
	v28 =	vld [tilespmem:s31+$0x30]  }
0x80: {  	vm2 =	vgt.s32 v49, $0x0;
	v41 =	vcvt.f32.s32 v41;
	v35 =	vcvt.f32.s32 v35;
	v29 =	vld [tilespmem:s31+$0x40]  }
0x81: {  	vm3 =	vgt.s32 v37, $0x0;
	v32 =	vcvt.f32.s32 v32;
	v33 =	vcvt.f32.s32 v33;
	v30 =	vld [tilespmem:s31+$0x50]  }
0x82: {  	vm4 =	vgt.s32 v38, $0x0;
	v44 =	vcvt.f32.s32 v44;
	v34 =	vcvt.f32.s32 v34;
	v31 =	vld [tilespmem:s31+$0x60]  }
0x83: {  	vm5 =	vgt.s32 v39, $0x0;
	v46 =	vcvt.f32.s32 v46;
	v36 =	vcvt.f32.s32 v36;
	[tilespmem:v24+s20+$0x0] =	vst.idx.add.f32.msk $0xffff, v1  }
0x84: {  	vm6 =	vgt.s32 v40, $0x0;
	vm8 =	vgt.s32 v41, $0x0;
	vm7 =	vgt.s32 v35, $0x0;
	[tilespmem:v23+s20+$0x0] =	vst.idx.add.f32.msk $0xffff, v1  }
0x85: {  	vm9 =	vgt.s32 v32, $0x0;
	vm10 =	vgt.s32 v33, $0x0;
	vm11 =	vgt.s32 v34, $0x0;
	[tilespmem:v22+s20+$0x0] =	vst.idx.add.f32.msk $0xffff, v1  }
0x86: {  	vm12 =	vgt.s32 v44, $0x0;
	vm13 =	vgt.s32 v46, $0x0;
	vm14 =	vgt.s32 v36, $0x0;
	[tilespmem:v21+s20+$0x0] =	vst.idx.add.f32.msk $0xffff, v1  }
0x87: {  	v17 =	vnsel vm0, $0x0, v17;
	v22 =	vnsel vm2, $0x0, v49;
	v21 =	vnsel vm1, $0x0, v48;
	[tilespmem:v20+s20+$0x0] =	vst.idx.add.f32.msk $0xffff, v1  }
0x88: {  	v24 =	vnsel vm5, $0x0, v39;
	v23 =	vnsel vm4, $0x0, v38;
	v20 =	vnsel vm3, $0x0, v37;
	[tilespmem:v19+s20+$0x0] =	vst.idx.add.f32.msk $0xffff, v1  }
0x89: {  	v39 =	vnsel vm8, $0x0, v41;
	v38 =	vnsel vm7, $0x0, v35;
	v37 =	vnsel vm6, $0x0, v40;
	[tilespmem:v18+s20+$0x0] =	vst.idx.add.f32.msk $0xffff, v1  }
0x8a: {  	v32 =	vnsel vm9, $0x0, v32;
	v41 =	vnsel vm11, $0x0, v34;
	v40 =	vnsel vm10, $0x0, v33;
	[tilespmem:v16+s20+$0x0] =	vst.idx.add.f32.msk $0xffff, v1  }
0x8b: {  	v44 =	vnsel vm12, $0x0, v44;
	v46 =	vnsel vm13, $0x0, v46;
	v48 =	vnsel vm14, $0x0, v36;
	[tilespmem:v15+s20+$0x0] =	vst.idx.add.f32.msk $0xffff, v1  }
0x8c: {  	v19 =	vmin.u32 v21, $0xFFF;
	v18 =	vmin.u32 v17, $0xFFF;
	v15 =	vmin.u32 v22, $0xFFF;
	[tilespmem:v14+s20+$0x0] =	vst.idx.add.f32.msk $0xffff, v1  }
.Ltmp3:
0x8d: {  	v35 =	vmin.u32 v23, $0xFFF;
	v20 =	vmin.u32 v20, $0xFFF;
	v16 =	vmin.u32 v24, $0xFFF;
	[tilespmem:v13+s20+$0x0] =	vst.idx.add.f32.msk $0xffff, v1;
	(pc) =	sbr.rel @p1 .LBB2_5-.Ltmp3, $4  }
0x8e: {  	v34 =	vmin.u32 v38, $0xFFF;
	v36 =	vmin.u32 v37, $0xFFF;
	v14 =	vmin.u32 v39, $0xFFF;
	[tilespmem:v10+s20+$0x0] =	vst.idx.add.f32.msk $0xffff, v1  }
0x8f: {  	v33 =	vmin.u32 v32, $0xFFF;
	v13 =	vmin.u32 v40, $0xFFF;
	v10 =	vmin.u32 v41, $0xFFF;
	[tilespmem:v11+s20+$0x0] =	vst.idx.add.f32.msk $0xffff, v1  }
0x90: {  	v32 =	vmin.u32 v46, $0xFFF;
	v17 =	vmin.u32 v48, $0xFFF;
	v11 =	vmin.u32 v44, $0xFFF;
	[tilespmem:v12+s20+$0x0] =	vst.idx.add.f32.msk $0xffff, v1  }
0x91: {  	s2 =	sadd.s32 $0x100, s2;
	v38 =	vshll.u32 v42, $0xC;
	v37 =	vshll.u32 v43, $0xC;
	v12 =	vshll.u32 v45, $0xC;
	[tilespmem:v47+s20+$0x0] =	vst.idx.add.f32.msk $0xffff, v1  }
0x92: {  	v5 =	vor.u32 v5, v18  }
0x93: {  	v6 =	vor.u32 v6, v19  }
0x94: {  	v7 =	vor.u32 v7, v15  }
0x95: {  	v8 =	vor.u32 v8, v20  }
0x96: {  	v9 =	vor.u32 v9, v35  }
0x97: {  	v15 =	vor.u32 v38, v16;
	[tilespmem:v5+s20+$0x0] =	vst.idx.add.f32.msk $0xffff, v1  }
0x98: {  	v12 =	vor.u32 v12, v34;
	[tilespmem:v6+s20+$0x0] =	vst.idx.add.f32.msk $0xffff, v1  }
0x99: {  	v5 =	vor.u32 v37, v36;
	v6 =	vshll.u32 v25, $0xC;
	[tilespmem:v7+s20+$0x0] =	vst.idx.add.f32.msk $0xffff, v1  }
0x9a: {  	v7 =	vshll.u32 v26, $0xC;
	[tilespmem:v8+s20+$0x0] =	vst.idx.add.f32.msk $0xffff, v1;
	v6 =	vor.u32 v6, v14  }
0x9b: {  	v8 =	vshll.u32 v27, $0xC;
	[tilespmem:v9+s20+$0x0] =	vst.idx.add.f32.msk $0xffff, v1;
	v7 =	vor.u32 v7, v33  }
0x9c: {  	v9 =	vshll.u32 v28, $0xC;
	[tilespmem:v15+s20+$0x0] =	vst.idx.add.f32.msk $0xffff, v1;
	v8 =	vor.u32 v8, v13  }
0x9d: {  	[tilespmem:v12+s20+$0x0] =	vst.idx.add.f32.msk $0xffff, v1;
	v13 =	vshll.u32 v29, $0xC;
	v9 =	vor.u32 v9, v10  }
0x9e: {  	v10 =	vor.u32 v13, v11;
	[tilespmem:v5+s20+$0x0] =	vst.idx.add.f32.msk $0xffff, v1;
	v5 =	vshll.u32 v30, $0xC  }
0x9f: {  	v11 =	vshll.u32 v31, $0xC;
	v5 =	vor.u32 v5, v32;
	[tilespmem:v6+s20+$0x0] =	vst.idx.add.f32.msk $0xffff, v1  }
0xa0: {  	v6 =	vor.u32 v11, v17;
	[tilespmem:v7+s20+$0x0] =	vst.idx.add.f32.msk $0xffff, v1  }
0xa1: {  	[tilespmem:v8+s20+$0x0] =	vst.idx.add.f32.msk $0xffff, v1  }
0xa2: {  	p1 =	seq.s32 s29, $0x3;
	[tilespmem:v9+s20+$0x0] =	vst.idx.add.f32.msk $0xffff, v1  }
0xa3: {  	s0 =	sadd.s32 @!p1 s30, s8;
	[tilespmem:v10+s20+$0x0] =	vst.idx.add.f32.msk $0xffff, v1  }
0xa4: {  	s2 =	simm.s32 @!p1 $0x80;
	s0 =	sshrl.u32 @!p1 s0, $0x3;
	[tilespmem:v5+s20+$0x0] =	vst.idx.add.f32.msk $0xffff, v1  }
0xa5: {  	s30 =	simm.s32 @!p1 $0x400;
	s31 =	simm.s32 @!p1 $0x0;
	s1 =	sadd.s32 @!p1 s3, s0;
	[tilespmem:v6+s20+$0x0] =	vst.idx.add.f32.msk $0xffff, v1  }
0xa6: {  	[tilespmem:s31], [sflag:$0x1] =	stream.strided.gather @!p1 [hbm4b:s1+s2], $0x4000, s30, s2, $0x38;
	[tilespmem:$0x16998] =	vst v63  }
0xa7: {  	s0 =	sadd.s32 @!p1 s4, s0;
	s1 =	simm.s32 @!p1 $0x8000  }
0xa8: {  	[tilespmem:s1], [sflag:$0x3] =	stream.strided.gather @!p1 [hbm4b:s0+s2], $0x4000, s30, s2, $0x38;
	[tilespmem:$0x16998] =	vst v63  }
0xa9: {  	_ =	swait.ge [sflag:s21], $0x4000  }
0xaa: {  	[sflag:s21] =	ssyncset.done $0x0  }
0xab: {  	[sflag:s21] =	ssyncadd.s32 $0xFFFFC000  }
0xac: {  	_ =	swait.ge [sflag:s22], $0x4000  }
0xad: {  	[sflag:s22] =	ssyncset.done $0x0  }
0xae: {  	s31 =	simm.s32 $0x4080;
	[sflag:s22] =	ssyncadd.s32 $0xFFFFC000  }
0xaf: {  	v5 =	vld [tilespmem:s31+$0x70]  }
0xb0: {  	v6 =	vld [tilespmem:s31+$0xFFFFFF90]  }
0xb1: {  	v7 =	vld [tilespmem:s31+$0xFFFFFFA0]  }
0xb2: {  	v8 =	vld [tilespmem:s31+$0xFFFFFFB0]  }
0xb3: {  	v10 =	vld [tilespmem:s31+$0xFFFFFFD0]  }
0xb4: {  	v11 =	vld [tilespmem:s31+$0xFFFFFFE0]  }
0xb5: {  	v12 =	vld [tilespmem:s31+$0xFFFFFFF0]  }
0xb6: {  	v13 =	vld [tilespmem:s31+$0x0]  }
0xb7: {  	v20 =	vld [tilespmem:s31+$0x60];
	v5 =	vadd.f32 $1.300000000e+01, v5;
	v6 =	vadd.f32 $1.300000000e+01, v6  }
0xb8: {  	v9 =	vld [tilespmem:s31+$0xFFFFFFC0];
	v7 =	vadd.f32 $1.300000000e+01, v7;
	v8 =	vadd.f32 $1.300000000e+01, v8  }
0xb9: {  	v10 =	vadd.f32 $1.300000000e+01, v10;
	v11 =	vadd.f32 $1.300000000e+01, v11  }
0xba: {  	v12 =	vadd.f32 $1.300000000e+01, v12;
	v5 =	vmul.f32 $1.575384670e+02, v5;
	v6 =	vmul.f32 $1.575384670e+02, v6  }
0xbb: {  	v13 =	vadd.f32 $1.300000000e+01, v13;
	v7 =	vmul.f32 $1.575384670e+02, v7;
	v8 =	vmul.f32 $1.575384670e+02, v8  }
0xbc: {  	s30 =	simm.s32 $0xC080;
	v20 =	vadd.f32 $1.300000000e+01, v20;
	v10 =	vmul.f32 $1.575384670e+02, v10;
	v11 =	vmul.f32 $1.575384670e+02, v11  }
0xbd: {  	v14 =	vld [tilespmem:s30+$0x70];
	v9 =	vadd.f32 $1.300000000e+01, v9;
	v12 =	vmul.f32 $1.575384670e+02, v12;
	v13 =	vmul.f32 $1.575384670e+02, v13  }
0xbe: {  	v15 =	vld [tilespmem:s31+$0x10];
	v20 =	vmul.f32 $1.575384670e+02, v20;
	v5 =	vtrunc.f32 v5  }
0xbf: {  	v21 =	vld [tilespmem:s31+$0xFFFFFF80];
	v16 =	vtrunc.f32 v6;
	v6 =	vmul.f32 $1.575384670e+02, v9  }
0xc0: {  	v61 =	vld [tilespmem:s30+$0xFFFFFFD0];
	v22 =	vtrunc.f32 v7;
	v23 =	vtrunc.f32 v8  }
0xc1: {  	v39 =	vld [tilespmem:s30+$0xFFFFFFE0];
	v10 =	vtrunc.f32 v10;
	v11 =	vtrunc.f32 v11  }
0xc2: {  	v17 =	vld [tilespmem:s31+$0x30];
	v14 =	vshll.u32 v14, $0xC;
	v12 =	vtrunc.f32 v12;
	v13 =	vtrunc.f32 v13  }
0xc3: {  	v18 =	vld [tilespmem:s31+$0x40];
	v15 =	vadd.f32 $1.300000000e+01, v15;
	v20 =	vtrunc.f32 v20;
	v5 =	vcvt.f32.s32 v5  }
0xc4: {  	v19 =	vld [tilespmem:s31+$0x50];
	v21 =	vadd.f32 $1.300000000e+01, v21;
	v16 =	vcvt.f32.s32 v16;
	v22 =	vcvt.f32.s32 v22  }
0xc5: {  	v38 =	vshll.u32 v61, $0xC;
	v23 =	vcvt.f32.s32 v23;
	v10 =	vcvt.f32.s32 v10  }
0xc6: {  	v37 =	vshll.u32 v39, $0xC;
	v11 =	vcvt.f32.s32 v11;
	v12 =	vcvt.f32.s32 v12  }
0xc7: {  	v8 =	vadd.f32 $1.300000000e+01, v17;
	v13 =	vcvt.f32.s32 v13;
	v20 =	vcvt.f32.s32 v20  }
0xc8: {  	v24 =	vtrunc.f32 v6;
	v6 =	vmul.f32 $1.575384670e+02, v15;
	v15 =	vadd.f32 $1.300000000e+01, v18  }
0xc9: {  	v8 =	vmul.f32 $1.575384670e+02, v8;
	v18 =	vadd.f32 $1.300000000e+01, v19;
	vm0 =	vgt.s32 v5, $0x0  }
0xca: {  	v24 =	vcvt.f32.s32 v24;
	vm1 =	vgt.s32 v16, $0x0;
	vm2 =	vgt.s32 v22, $0x0  }
0xcb: {  	v9 =	vld [tilespmem:s31+$0x20];
	vm3 =	vgt.s32 v23, $0x0;
	vm5 =	vgt.s32 v10, $0x0;
	vm6 =	vgt.s32 v11, $0x0  }
0xcc: {  	v17 =	vld [tilespmem:s30+$0xFFFFFF90];
	vm7 =	vgt.s32 v12, $0x0;
	vm8 =	vgt.s32 v13, $0x0;
	vm14 =	vgt.s32 v20, $0x0  }
0xcd: {  	v5 =	vnsel vm0, $0x0, v5;
	v15 =	vmul.f32 $1.575384670e+02, v15;
	v18 =	vmul.f32 $1.575384670e+02, v18  }
0xce: {  	v40 =	vld [tilespmem:s30+$0xFFFFFFF0];
	v27 =	vtrunc.f32 v6;
	v16 =	vnsel vm1, $0x0, v16;
	v22 =	vnsel vm2, $0x0, v22  }
0xcf: {  	v23 =	vnsel vm3, $0x0, v23;
	v10 =	vnsel vm5, $0x0, v10;
	v11 =	vnsel vm6, $0x0, v11  }
0xd0: {  	v12 =	vnsel vm7, $0x0, v12;
	v13 =	vnsel vm8, $0x0, v13;
	v63 =	vnsel vm14, $0x0, v20  }
0xd1: {  	v5 =	vmin.u32 v5, $0xFFF;
	v7 =	vadd.f32 $1.300000000e+01, v9;
	v6 =	vshll.u32 v17, $0xC  }
0xd2: {  	v9 =	vld [tilespmem:s30+$0xFFFFFF80];
	v17 =	vtrunc.f32 v8;
	vm4 =	vgt.s32 v24, $0x0;
	v20 =	vmin.u32 v23, $0xFFF  }
0xd3: {  	v36 =	vmin.u32 v11, $0xFFF;
	v34 =	vmin.u32 v12, $0xFFF;
	v12 =	vshll.u32 v40, $0xC  }
0xd4: {  	v19 =	vld [tilespmem:s30+$0xFFFFFFA0];
	v14 =	vor.u32 v14, v5;
	v15 =	vtrunc.f32 v15;
	v18 =	vtrunc.f32 v18  }
0xd5: {  	v25 =	vld [tilespmem:s30+$0xFFFFFFB0];
	v17 =	vcvt.f32.s32 v17;
	v24 =	vnsel vm4, $0x0, v24;
	v7 =	vmul.f32 $1.575384670e+02, v7  }
0xd6: {  	v26 =	vld [tilespmem:s30+$0xFFFFFFC0];
	v15 =	vcvt.f32.s32 v15;
	v18 =	vcvt.f32.s32 v18;
	v35 =	vmin.u32 v24, $0xFFF  }
0xd7: {  	vm11 =	vgt.s32 v17, $0x0;
	v5 =	vshll.u32 v9, $0xC;
	v9 =	vmul.f32 $1.575384670e+02, v21  }
0xd8: {  	v28 =	vld [tilespmem:s30+$0x30];
	vm12 =	vgt.s32 v15, $0x0;
	vm13 =	vgt.s32 v18, $0x0;
	v17 =	vnsel vm11, $0x0, v17  }
0xd9: {  	v29 =	vld [tilespmem:s30+$0x40];
	v21 =	vtrunc.f32 v7;
	v7 =	vshll.u32 v19, $0xC;
	v8 =	vtrunc.f32 v9  }
0xda: {  	[tilespmem:v14+s20+$0x0] =	vst.idx.add.f32.msk $0xffff, v1;
	v19 =	vcvt.f32.s32 v8;
	v8 =	vshll.u32 v25, $0xC;
	v25 =	vcvt.f32.s32 v27  }
0xdb: {  	v31 =	vnsel vm12, $0x0, v15;
	v62 =	vnsel vm13, $0x0, v18;
	v9 =	vshll.u32 v26, $0xC;
	v26 =	vld [tilespmem:s30+$0x10]  }
0xdc: {  	v15 =	vmin.u32 v22, $0xFFF;
	v21 =	vcvt.f32.s32 v21;
	v27 =	vld [tilespmem:s30+$0x20];
	vm9 =	vgt.s32 v25, $0x0  }
0xdd: {  	v11 =	vmin.u32 v31, $0xFFF;
	v32 =	vmin.u32 v62, $0xFFF;
	v30 =	vnsel vm9, $0x0, v25;
	v25 =	vld [tilespmem:s30+$0x0]  }
0xde: {  	vm10 =	vgt.s32 v21, $0x0;
	vm0 =	vgt.s32 v19, $0x0;
	v33 =	vmin.u32 v30, $0xFFF;
	v30 =	vld [tilespmem:s30+$0x50]  }
0xdf: {  	v31 =	vld [tilespmem:s30+$0x60];
	v21 =	vnsel vm10, $0x0, v21;
	v14 =	vnsel vm0, $0x0, v19;
	v19 =	vmin.u32 v16, $0xFFF  }
0xe0: {  	v16 =	vmin.u32 v10, $0xFFF;
	v10 =	vmin.u32 v17, $0xFFF;
	v17 =	vmin.u32 v63, $0xFFF  }
0xe1: {  	s0 =	simm.s32 $0x0;
	s2 =	simm.s32 $0x4180;
	v18 =	vmin.u32 v14, $0xFFF;
	v14 =	vmin.u32 v13, $0xFFF;
	v13 =	vmin.u32 v21, $0xFFF  }
.LBB2_7:
0xe2: {  	v39 =	vld [tilespmem:s2+$0x70];
	s0 =	sadd.s32 $0x10, s0;
	v25 =	vshll.u32 v25, $0xC;
	v26 =	vshll.u32 v26, $0xC;
	v27 =	vshll.u32 v27, $0xC  }
0xe3: {  	v28 =	vshll.u32 v28, $0xC;
	v29 =	vshll.u32 v29, $0xC;
	v30 =	vshll.u32 v30, $0xC;
	v40 =	vld [tilespmem:s2+$0xFFFFFF90];
	p1 =	slt.u32 s0, $0x3F0  }
0xe4: {  	v24 =	vor.u32 v5, v18;
	v23 =	vor.u32 v6, v19;
	v31 =	vshll.u32 v31, $0xC;
	v41 =	vld [tilespmem:s2+$0xFFFFFFA0]  }
0xe5: {  	v22 =	vor.u32 v7, v15;
	v21 =	vor.u32 v8, v20;
	v20 =	vor.u32 v9, v35;
	v5 =	vld [tilespmem:s2+$0xFFFFFFB0]  }
0xe6: {  	v19 =	vor.u32 v38, v16;
	v18 =	vor.u32 v37, v36;
	v16 =	vor.u32 v12, v34;
	v6 =	vld [tilespmem:s2+$0xFFFFFFC0]  }
0xe7: {  	v15 =	vor.u32 v25, v14;
	v14 =	vor.u32 v26, v33;
	v7 =	vld [tilespmem:s2+$0xFFFFFFD0];
	v8 =	vadd.f32 $1.300000000e+01, v39  }
0xe8: {  	v13 =	vor.u32 v27, v13;
	v10 =	vor.u32 v28, v10;
	v9 =	vadd.f32 $1.300000000e+01, v40;
	v25 =	vld [tilespmem:s2+$0xFFFFFFE0]  }
0xe9: {  	v11 =	vor.u32 v29, v11;
	v26 =	vadd.f32 $1.300000000e+01, v41;
	v27 =	vld [tilespmem:s2+$0xFFFFFFF0];
	v8 =	vmul.f32 $1.575384670e+02, v8  }
0xea: {  	s30 =	sadd.s32 $0x100, s30;
	v12 =	vor.u32 v30, v32;
	v9 =	vmul.f32 $1.575384670e+02, v9;
	v5 =	vadd.f32 $1.300000000e+01, v5;
	v28 =	vld [tilespmem:s2+$0x0]  }
0xeb: {  	v26 =	vmul.f32 $1.575384670e+02, v26;
	v6 =	vadd.f32 $1.300000000e+01, v6;
	v29 =	vld [tilespmem:s30+$0x70];
	v8 =	vtrunc.f32 v8  }
0xec: {  	v5 =	vmul.f32 $1.575384670e+02, v5;
	v7 =	vadd.f32 $1.300000000e+01, v7;
	v30 =	vld [tilespmem:s2+$0x10];
	v8 =	vcvt.f32.s32 v8  }
0xed: {  	v9 =	vtrunc.f32 v9;
	v6 =	vmul.f32 $1.575384670e+02, v6;
	v25 =	vadd.f32 $1.300000000e+01, v25;
	v32 =	vld [tilespmem:s2+$0x20]  }
0xee: {  	v7 =	vmul.f32 $1.575384670e+02, v7;
	v27 =	vadd.f32 $1.300000000e+01, v27;
	v33 =	vld [tilespmem:s2+$0x30];
	vm0 =	vgt.s32 v8, $0x0  }
0xef: {  	v25 =	vmul.f32 $1.575384670e+02, v25;
	v28 =	vadd.f32 $1.300000000e+01, v28;
	v34 =	vld [tilespmem:s2+$0x40];
	v8 =	vnsel vm0, $0x0, v8  }
0xf0: {  	v27 =	vmul.f32 $1.575384670e+02, v27;
	v35 =	vld [tilespmem:s2+$0x50];
	v8 =	vmin.u32 v8, $0xFFF;
	v29 =	vshll.u32 v29, $0xC  }
0xf1: {  	v28 =	vmul.f32 $1.575384670e+02, v28;
	v30 =	vadd.f32 $1.300000000e+01, v30;
	v36 =	vld [tilespmem:s2+$0x60];
	v8 =	vor.u32 v29, v8  }
0xf2: {  	v26 =	vtrunc.f32 v26;
	v37 =	vtrunc.f32 v5;
	v29 =	vld [tilespmem:s2+$0xFFFFFF80];
	v5 =	vadd.f32 $1.300000000e+01, v32  }
0xf3: {  	v38 =	vtrunc.f32 v6;
	v32 =	vld [tilespmem:s30+$0xFFFFFF80];
	v6 =	vmul.f32 $1.575384670e+02, v30;
	v30 =	vadd.f32 $1.300000000e+01, v33  }
0xf4: {  	v39 =	vtrunc.f32 v7;
	v33 =	vld [tilespmem:s30+$0xFFFFFF90];
	v7 =	vmul.f32 $1.575384670e+02, v5;
	v5 =	vadd.f32 $1.300000000e+01, v34  }
0xf5: {  	v40 =	vtrunc.f32 v25;
	v34 =	vld [tilespmem:s30+$0xFFFFFFA0];
	v25 =	vmul.f32 $1.575384670e+02, v30;
	v30 =	vadd.f32 $1.300000000e+01, v35  }
0xf6: {  	v35 =	vtrunc.f32 v27;
	v27 =	vmul.f32 $1.575384670e+02, v5;
	v36 =	vadd.f32 $1.300000000e+01, v36;
	[tilespmem:v8+s20+$0x0] =	vst.idx.add.f32.msk $0xffff, v1  }
0xf7: {  	v41 =	vtrunc.f32 v28;
	v8 =	vadd.f32 $1.300000000e+01, v29;
	v29 =	vld [tilespmem:s30+$0xFFFFFFB0];
	v28 =	vmul.f32 $1.575384670e+02, v30  }
0xf8: {  	v5 =	vshll.u32 v32, $0xC;
	v30 =	vld [tilespmem:s30+$0xFFFFFFC0];
	v32 =	vtrunc.f32 v6;
	v36 =	vmul.f32 $1.575384670e+02, v36  }
0xf9: {  	v8 =	vmul.f32 $1.575384670e+02, v8;
	v6 =	vshll.u32 v33, $0xC;
	v42 =	vld [tilespmem:s30+$0xFFFFFFD0];
	v33 =	vtrunc.f32 v7  }
0xfa: {  	v44 =	vtrunc.f32 v27;
	v7 =	vshll.u32 v34, $0xC;
	v43 =	vld [tilespmem:s30+$0xFFFFFFE0];
	v34 =	vtrunc.f32 v25  }
0xfb: {  	v47 =	vor.u32 v31, v17;
	v46 =	vtrunc.f32 v28;
	v8 =	vtrunc.f32 v8;
	v45 =	vld [tilespmem:s30+$0xFFFFFFF0]  }
0xfc: {  	v36 =	vtrunc.f32 v36;
	v17 =	vcvt.f32.s32 v8;
	v8 =	vshll.u32 v29, $0xC;
	v25 =	vld [tilespmem:s30+$0x0]  }
0xfd: {  	v48 =	vcvt.f32.s32 v9;
	v49 =	vcvt.f32.s32 v26;
	v9 =	vshll.u32 v30, $0xC;
	v26 =	vld [tilespmem:s30+$0x10]  }
0xfe: {  	v37 =	vcvt.f32.s32 v37;
	v38 =	vcvt.f32.s32 v38;
	vm0 =	vgt.s32 v17, $0x0;
	v27 =	vld [tilespmem:s30+$0x20]  }
0xff: {  	vm1 =	vgt.s32 v48, $0x0;
	v39 =	vcvt.f32.s32 v39;
	v40 =	vcvt.f32.s32 v40;
	v28 =	vld [tilespmem:s30+$0x30]  }
0x100: {  	vm2 =	vgt.s32 v49, $0x0;
	v41 =	vcvt.f32.s32 v41;
	v35 =	vcvt.f32.s32 v35;
	v29 =	vld [tilespmem:s30+$0x40]  }
0x101: {  	vm3 =	vgt.s32 v37, $0x0;
	v32 =	vcvt.f32.s32 v32;
	v33 =	vcvt.f32.s32 v33;
	v30 =	vld [tilespmem:s30+$0x50]  }
0x102: {  	vm4 =	vgt.s32 v38, $0x0;
	v44 =	vcvt.f32.s32 v44;
	v34 =	vcvt.f32.s32 v34;
	v31 =	vld [tilespmem:s30+$0x60]  }
0x103: {  	vm5 =	vgt.s32 v39, $0x0;
	v46 =	vcvt.f32.s32 v46;
	v36 =	vcvt.f32.s32 v36;
	[tilespmem:v24+s20+$0x0] =	vst.idx.add.f32.msk $0xffff, v1  }
0x104: {  	vm6 =	vgt.s32 v40, $0x0;
	vm8 =	vgt.s32 v41, $0x0;
	vm7 =	vgt.s32 v35, $0x0;
	[tilespmem:v23+s20+$0x0] =	vst.idx.add.f32.msk $0xffff, v1  }
0x105: {  	vm9 =	vgt.s32 v32, $0x0;
	vm10 =	vgt.s32 v33, $0x0;
	vm11 =	vgt.s32 v34, $0x0;
	[tilespmem:v22+s20+$0x0] =	vst.idx.add.f32.msk $0xffff, v1  }
0x106: {  	vm12 =	vgt.s32 v44, $0x0;
	vm13 =	vgt.s32 v46, $0x0;
	vm14 =	vgt.s32 v36, $0x0;
	[tilespmem:v21+s20+$0x0] =	vst.idx.add.f32.msk $0xffff, v1  }
0x107: {  	v17 =	vnsel vm0, $0x0, v17;
	v22 =	vnsel vm2, $0x0, v49;
	v21 =	vnsel vm1, $0x0, v48;
	[tilespmem:v20+s20+$0x0] =	vst.idx.add.f32.msk $0xffff, v1  }
0x108: {  	v24 =	vnsel vm5, $0x0, v39;
	v23 =	vnsel vm4, $0x0, v38;
	v20 =	vnsel vm3, $0x0, v37;
	[tilespmem:v19+s20+$0x0] =	vst.idx.add.f32.msk $0xffff, v1  }
0x109: {  	v39 =	vnsel vm8, $0x0, v41;
	v38 =	vnsel vm7, $0x0, v35;
	v37 =	vnsel vm6, $0x0, v40;
	[tilespmem:v18+s20+$0x0] =	vst.idx.add.f32.msk $0xffff, v1  }
0x10a: {  	v32 =	vnsel vm9, $0x0, v32;
	v41 =	vnsel vm11, $0x0, v34;
	v40 =	vnsel vm10, $0x0, v33;
	[tilespmem:v16+s20+$0x0] =	vst.idx.add.f32.msk $0xffff, v1  }
0x10b: {  	v44 =	vnsel vm12, $0x0, v44;
	v46 =	vnsel vm13, $0x0, v46;
	v48 =	vnsel vm14, $0x0, v36;
	[tilespmem:v15+s20+$0x0] =	vst.idx.add.f32.msk $0xffff, v1  }
0x10c: {  	v19 =	vmin.u32 v21, $0xFFF;
	v18 =	vmin.u32 v17, $0xFFF;
	v15 =	vmin.u32 v22, $0xFFF;
	[tilespmem:v14+s20+$0x0] =	vst.idx.add.f32.msk $0xffff, v1  }
.Ltmp4:
0x10d: {  	v35 =	vmin.u32 v23, $0xFFF;
	v20 =	vmin.u32 v20, $0xFFF;
	v16 =	vmin.u32 v24, $0xFFF;
	[tilespmem:v13+s20+$0x0] =	vst.idx.add.f32.msk $0xffff, v1;
	(pc) =	sbr.rel @p1 .LBB2_7-.Ltmp4, $4  }
0x10e: {  	v34 =	vmin.u32 v38, $0xFFF;
	v36 =	vmin.u32 v37, $0xFFF;
	v14 =	vmin.u32 v39, $0xFFF;
	[tilespmem:v10+s20+$0x0] =	vst.idx.add.f32.msk $0xffff, v1  }
0x10f: {  	v33 =	vmin.u32 v32, $0xFFF;
	v13 =	vmin.u32 v40, $0xFFF;
	v10 =	vmin.u32 v41, $0xFFF;
	[tilespmem:v11+s20+$0x0] =	vst.idx.add.f32.msk $0xffff, v1  }
0x110: {  	v32 =	vmin.u32 v46, $0xFFF;
	v17 =	vmin.u32 v48, $0xFFF;
	v11 =	vmin.u32 v44, $0xFFF;
	[tilespmem:v12+s20+$0x0] =	vst.idx.add.f32.msk $0xffff, v1  }
0x111: {  	s2 =	sadd.s32 $0x100, s2;
	v38 =	vshll.u32 v42, $0xC;
	v37 =	vshll.u32 v43, $0xC;
	v12 =	vshll.u32 v45, $0xC;
	[tilespmem:v47+s20+$0x0] =	vst.idx.add.f32.msk $0xffff, v1  }
0x112: {  	v5 =	vor.u32 v5, v18  }
0x113: {  	v6 =	vor.u32 v6, v19  }
0x114: {  	v7 =	vor.u32 v7, v15  }
0x115: {  	v8 =	vor.u32 v8, v20  }
0x116: {  	v9 =	vor.u32 v9, v35  }
0x117: {  	v58 =	vor.u32 v38, v16;
	[tilespmem:v5+s20+$0x0] =	vst.idx.add.f32.msk $0xffff, v1  }
0x118: {  	v12 =	vor.u32 v12, v34;
	[tilespmem:v6+s20+$0x0] =	vst.idx.add.f32.msk $0xffff, v1  }
0x119: {  	v61 =	vshll.u32 v29, $0xC;
	v5 =	vor.u32 v37, v36;
	[tilespmem:v7+s20+$0x0] =	vst.idx.add.f32.msk $0xffff, v1  }
0x11a: {  	v62 =	vor.u32 v61, v11;
	v6 =	vshll.u32 v25, $0xC;
	[tilespmem:v8+s20+$0x0] =	vst.idx.add.f32.msk $0xffff, v1  }
0x11b: {  	v59 =	vshll.u32 v27, $0xC;
	[tilespmem:v9+s20+$0x0] =	vst.idx.add.f32.msk $0xffff, v1;
	v6 =	vor.u32 v6, v14  }
0x11c: {  	v60 =	vshll.u32 v28, $0xC;
	v8 =	vor.u32 v59, v13;
	[tilespmem:v58+s20+$0x0] =	vst.idx.add.f32.msk $0xffff, v1  }
0x11d: {  	v7 =	vshll.u32 v26, $0xC;
	v9 =	vor.u32 v60, v10;
	[tilespmem:v12+s20+$0x0] =	vst.idx.add.f32.msk $0xffff, v1  }
0x11e: {  	v7 =	vor.u32 v7, v33;
	[tilespmem:v5+s20+$0x0] =	vst.idx.add.f32.msk $0xffff, v1;
	v5 =	vshll.u32 v30, $0xC  }
0x11f: {  	v63 =	vshll.u32 v31, $0xC;
	s29 =	sadd.s32 $0x1, s29;
	[tilespmem:v62+s20+$0x0] =	vst.idx.add.f32.msk $0xffff, v1;
	v5 =	vor.u32 v5, v32  }
0x120: {  	p1 =	sne.s32 s29, $0x4;
	[tilespmem:v6+s20+$0x0] =	vst.idx.add.f32.msk $0xffff, v1;
	v6 =	vor.u32 v63, v17  }
.Ltmp5:
0x121: {  	[tilespmem:v8+s20+$0x0] =	vst.idx.add.f32.msk $0xffff, v1;
	(pc) =	sbr.rel @p1 .LBB2_4-.Ltmp5, $4  }
0x122: {  	[tilespmem:v9+s20+$0x0] =	vst.idx.add.f32.msk $0xffff, v1  }
0x123: {  	[tilespmem:v7+s20+$0x0] =	vst.idx.add.f32.msk $0xffff, v1  }
0x124: {  	[tilespmem:v5+s20+$0x0] =	vst.idx.add.f32.msk $0xffff, v1  }
0x125: {  	[tilespmem:v6+s20+$0x0] =	vst.idx.add.f32.msk $0xffff, v1  }
0x126: {  	[spmem:s9] =	stream.strided.scatter [tilespmem:s20], [sflag:$0x5], $0x2080, s23, s13, $0x38;
	[tilespmem:$0x16998] =	vst v63  }
.Ltmp6:
0x127: {  	_ =	swait.ge [sflag:s24], $0x2080;
	(pc) =	sbr.rel @p0 .LBB2_15-.Ltmp6, $3  }
0x128: {  	[sflag:s24] =	ssyncset.done $0x0  }
0x129: {  	[sflag:s24] =	ssyncadd.s32 $0xFFFFDF80  }
0x12a: {  	[bflag:$0x0] =	sbarrier.arrive $0xFFFF;
	_ =	sdelay $0x1  }
0x12b: {  	s0 =	simm.s32 $0x0  }
0x12c: {  	s0 =	scvt.s32.f32 s0;
	_ =	sdelay $0x1  }
0x12d: {  	v5 =	vadd.f32 s0, v2;
	_ =	sdelay $0x1  }
0x12e: {  	s1 =	simm.s32 $0x10;
	v5 =	vadd.f32 $5.000000000e-01, v5  }
0x12f: {  	s25 =	scvt.s32.f32 s1  }
0x130: {  	v5 =	vmul.f32 $6.347656250e-03, v5  }
0x131: {  	v6 =	vadd.f32 s25, v2  }
0x132: {  	v5 =	vadd.f32 $-1.300000000e+01, v5  }
0x133: {  	s30 =	simm.s32 $0x20;
	v6 =	vadd.f32 $5.000000000e-01, v6  }
0x134: {  	s0 =	scvt.s32.f32 s30;
	v5 =	vsub.f32 $0.0e+00, v5  }
0x135: {  	s31 =	simm.s32 $0x14898;
	v6 =	vmul.f32 $6.347656250e-03, v6  }
0x136: {  	[tilespmem:s31], [sflag:$0x5] =	stream.strided.gather [spmem:s10], $0x2080, s23, s13, $0x38;
	v7 =	vadd.f32 s0, v2;
	v5 =	vmul.f32 $1.442695020e+00, v5;
	[tilespmem:$0x16998] =	vst v63  }
0x137: {  	_ =	swait.ge [sflag:s24], $0x2080;
	v6 =	vadd.f32 $-1.300000000e+01, v6  }
0x138: {  	v7 =	vadd.f32 $5.000000000e-01, v7;
	(erf) = vpow2.f32 v5  }
0x139: {  	s1 =	simm.s32 $0x30;
	v6 =	vsub.f32 $0.0e+00, v6  }
0x13a: {  	s0 =	scvt.s32.f32 s1;
	v7 =	vmul.f32 $6.347656250e-03, v7  }
0x13b: {  	v5 =	vmul.f32 $1.442695020e+00, v6  }
0x13c: {  	v6 =	vadd.f32 $-1.300000000e+01, v7;
	v7 =	vadd.f32 s0, v2  }
0x13d: {  	(erf) = vpow2.f32 v5  }
0x13e: {  	v5 =	vsub.f32 $0.0e+00, v6;
	v6 =	vadd.f32 $5.000000000e-01, v7;
	_ =	sdelay $0x1  }
0x13f: {  	s2 =	simm.s32 $0x40;
	v6 =	vmul.f32 $6.347656250e-03, v6  }
0x140: {  	s0 =	scvt.s32.f32 s2;
	v5 =	vmul.f32 $1.442695020e+00, v5;
	v7 =	vpop (erf)  }
0x141: {  	v6 =	vadd.f32 $-1.300000000e+01, v6;
	v7 =	vadd.f32 $1.000000000e+00, v7  }
0x142: {  	(erf) = vpow2.f32 v5;
	v5 =	vadd.f32 s0, v2  }
0x143: {  	[sflag:s24] =	ssyncset.done $0x0;
	v6 =	vsub.f32 $0.0e+00, v6;
	(erf) = vrcp.f32 v7  }
0x144: {  	s25 =	simm.s32 $0x11000;
	[sflag:s24] =	ssyncadd.s32 $0xFFFFDF80;
	s2 =	simm.s32 $0x50;
	v5 =	vadd.f32 $5.000000000e-01, v5  }
0x145: {  	s30 =	simm.s32 $0x15898;
	v12 =	vld [tilespmem:s25+$0x0];
	s31 =	scvt.s32.f32 s2;
	v6 =	vmul.f32 $1.442695020e+00, v6;
	v8 =	vpop (erf)  }
0x146: {  	v13 =	vld [tilespmem:s30+$0x0];
	v5 =	vmul.f32 $6.347656250e-03, v5;
	v8 =	vadd.f32 $1.000000000e+00, v8  }
0x147: {  	v9 =	vadd.f32 s31, v2;
	(erf) = vpow2.f32 v6  }
0x148: {  	v5 =	vadd.f32 $-1.300000000e+01, v5;
	(erf) = vrcp.f32 v8;
	_ =	sdelay $0x1  }
0x149: {  	v11 =	vadd.f32 $5.000000000e-01, v9;
	s0 =	simm.s32 $0x11010;
	v10 =	vsub.f32 $0.0e+00, v5  }
0x14a: {  	s29 =	simm.s32 $0x158A8;
	s2 =	simm.s32 $0x60;
	v7 =	vimm.f32 $0.0e+00;
	v6 =	vadd.f32 v13, v12;
	v8 =	vld [tilespmem:s0+$0x0];
	v5 =	vimm.f32 $0.0e+00;
	v9 =	vpop (erf)  }
.LBB2_11:
0x14b: {  	s1 =	scvt.s32.f32 s2;
	v11 =	vmul.f32 $6.347656250e-03, v11;
	v10 =	vmul.f32 $1.442695020e+00, v10;
	v12 =	vld [tilespmem:s29+$0x0];
	v13 =	vpop (erf);
	p1 =	sne.s32 s2, $0xFF0  }
.Ltmp7:
0x14c: {  	s2 =	sadd.s32 $0x10, s2;
	v9 =	vadd.f32 $1.000000000e+00, v9;
	v7 =	vadd.f32 v6, v7;
	v6 =	vmul.f32 v6, v13;
	(pc) =	sbr.rel @p1 .LBB2_11-.Ltmp7, $4  }
0x14d: {  	v13 =	vadd.f32 s1, v2;
	v14 =	vadd.f32 $-1.300000000e+01, v11;
	(erf) = vpow2.f32 v10  }
0x14e: {  	(erf) = vrcp.f32 v9;
	v5 =	vadd.f32 v6, v5  }
0x14f: {  	s0 =	sadd.s32 $0x10, s0;
	v11 =	vadd.f32 $5.000000000e-01, v13;
	v10 =	vsub.f32 $0.0e+00, v14  }
0x150: {  	s29 =	sadd.s32 $0x10, s29;
	v9 =	vpop (erf);
	v6 =	vadd.f32 v12, v8;
	v8 =	vld [tilespmem:s0+$0x0]  }
0x151: {  	v12 =	vld [tilespmem:s29+$0x0];
	s0 =	sadd.s32 $0x10, s0  }
0x152: {  	s1 =	sadd.s32 $0x10, s29;
	v13 =	vld [tilespmem:s0+$0x0]  }
0x153: {  	v14 =	vld [tilespmem:s1+$0x0];
	s0 =	sadd.s32 $0x10, s0  }
0x154: {  	s1 =	sadd.s32 $0x10, s1;
	v15 =	vld [tilespmem:s0+$0x0]  }
0x155: {  	v11 =	vmul.f32 $6.347656250e-03, v11;
	v16 =	vld [tilespmem:s1+$0x0];
	s0 =	sadd.s32 $0x10, s0  }
0x156: {  	v7 =	vadd.f32 v6, v7;
	s1 =	sadd.s32 $0x10, s1;
	v17 =	vld [tilespmem:s0+$0x0];
	v8 =	vadd.f32 v12, v8  }
0x157: {  	v11 =	vadd.f32 $-1.300000000e+01, v11;
	s0 =	sadd.s32 $0x10, s0;
	v12 =	vld [tilespmem:s1+$0x0]  }
0x158: {  	v10 =	vmul.f32 $1.442695020e+00, v10;
	v18 =	vld [tilespmem:s0+$0x0];
	s1 =	sadd.s32 $0x10, s1;
	v13 =	vadd.f32 v14, v13;
	v7 =	vadd.f32 v8, v7  }
0x159: {  	v9 =	vadd.f32 $1.000000000e+00, v9;
	v11 =	vsub.f32 $0.0e+00, v11;
	v14 =	vld [tilespmem:s1+$0x0]  }
0x15a: {  	s2 =	simm.s32 $0x10FF0;
	(erf) = vpow2.f32 v10;
	v15 =	vadd.f32 v16, v15;
	v7 =	vadd.f32 v13, v7  }
0x15b: {  	s25 =	simm.s32 $0x15888;
	s31 =	simm.s32 $0x1000;
	v19 =	vld [tilespmem:s2+$0x0];
	v10 =	vmul.f32 $1.442695020e+00, v11  }
0x15c: {  	(erf) = vrcp.f32 v9;
	s0 =	scvt.s32.f32 s31;
	v16 =	vld [tilespmem:s25+$0x0];
	v9 =	vadd.f32 v12, v17;
	v7 =	vadd.f32 v15, v7  }
0x15d: {  	(erf) = vpow2.f32 v10  }
0x15e: {  	s0 =	sadd.f32 $-5.000000000e-01, s0;
	v10 =	vadd.f32 v14, v18;
	v7 =	vadd.f32 v9, v7;
	_ =	sdelay $0x1  }
0x15f: {  	v12 =	vadd.f32 s0, v4;
	v14 =	vpop (erf);
	v7 =	vadd.f32 v10, v7  }
0x160: {  	v11 =	vadd.f32 v16, v19;
	v16 =	vpop (erf)  }
0x161: {  	v17 =	vpop (erf);
	v16 =	vadd.f32 $1.000000000e+00, v16;
	(xrf2) =	vadd.scan.msk.f32 $0xffff, v7;
	v7 =	vmul.f32 $6.347656250e-03, v12  }
0x162: {  	s25 =	simm.s32 $0xFF0;
	v18 =	vpop (erf)  }
0x163: {  	s0 =	scvt.s32.f32 s25;
	(erf) = vrcp.f32 v16;
	v16 =	vadd.f32 $1.000000000e+00, v18;
	v7 =	vadd.f32 $-1.300000000e+01, v7  }
0x164: {  	s2 =	simm.s32 $0x15878;
	v11 =	vperm.xlane v11, v3;
	v20 =	vpop (erf)  }
0x165: {  	s1 =	simm.s32 $0x10FE0;
	v19 =	vld [tilespmem:s2+$0x0];
	s0 =	sadd.f32 $-5.000000000e-01, s0;
	v18 =	vpop (erf);
	(erf) = vrcp.f32 v16;
	v7 =	vsub.f32 $0.0e+00, v7  }
0x166: {  	v6 =	vmul.f32 v6, v14;
	v12 =	vld [tilespmem:s1+$0x0];
	(xrf2) =	vadd.scan.msk.f32 $0xffff, v11;
	v18 =	vadd.f32 $1.000000000e+00, v18  }
0x167: {  	v16 =	vadd.f32 s0, v4;
	v7 =	vmul.f32 $1.442695020e+00, v7  }
0x168: {  	s25 =	simm.s32 $0x10FD0;
	v6 =	vadd.f32 v6, v5;
	v8 =	vmul.f32 v8, v17;
	(erf) = vrcp.f32 v18  }
0x169: {  	s2 =	simm.s32 $0x15868;
	v14 =	vld [tilespmem:s25+$0x0];
	(erf) = vpow2.f32 v7;
	v7 =	vmul.f32 $6.347656250e-03, v16  }
0x16a: {  	v6 =	vadd.f32 v8, v6;
	v8 =	vmul.f32 v13, v20;
	v13 =	vld [tilespmem:s2+$0x0]  }
0x16b: {  	s31 =	simm.s32 $0xFE0;
	v12 =	vadd.f32 v19, v12;
	v7 =	vadd.f32 $-1.300000000e+01, v7  }
0x16c: {  	s0 =	scvt.s32.f32 s31  }
0x16d: {  	v12 =	vperm.xlane v12, v3;
	v17 =	vpop (erf);
	v7 =	vsub.f32 $0.0e+00, v7  }
0x16e: {  	v6 =	vadd.f32 v8, v6;
	s0 =	sadd.f32 $-5.000000000e-01, s0;
	v8 =	vmul.f32 v15, v17;
	v15 =	vpop (erf)  }
0x16f: {  	v13 =	vadd.f32 v13, v14;
	v5, _, _ =	vpop (xrf2);
	(xrf2) =	vadd.scan.msk.f32 $0xffff, v12;
	v7 =	vmul.f32 $1.442695020e+00, v7  }
0x170: {  	v17 =	vadd.f32 s0, v4;
	v6 =	vadd.f32 v8, v6;
	v16, _, _ =	vpop (xrf2)  }
0x171: {  	s31 =	simm.s32 $0xFD0;
	v8 =	vmul.f32 v9, v15;
	(v2sf) =	vpush v16, $0xF;
	(erf) = vpow2.f32 v7  }
0x172: {  	s25 =	simm.s32 $0x15858;
	s0 =	scvt.s32.f32 s31;
	v14 =	vmul.f32 $6.347656250e-03, v17;
	v9 =	vpop (erf)  }
0x173: {  	s2 =	simm.s32 $0x10FC0;
	v15 =	vld [tilespmem:s25+$0x0];
	v6 =	vadd.f32 v8, v6;
	v8 =	vperm.xlane v13, v3;
	v7 =	vpop (erf)  }
0x174: {  	s0 =	sadd.f32 $-5.000000000e-01, s0;
	v13 =	vadd.f32 $-1.300000000e+01, v14;
	v14 =	vld [tilespmem:s2+$0x0];
	v9 =	vmul.f32 v10, v9;
	v10 =	vadd.f32 $1.000000000e+00, v7;
	_ =	sdelay $0x1  }
0x175: {  	v17 =	vadd.f32 s0, v4;
	(erf) = vrcp.f32 v10;
	v10 =	vsub.f32 $0.0e+00, v13;
	_ =	sdelay $0x1  }
0x176: {  	vm0 =	vgt.f32 v11, $0.0e+00;
	v10 =	vmul.f32 $1.442695020e+00, v10  }
0x177: {  	vm0 =	vmmov vm0;
	s31 =	simm.f32 $0.0e+00;
	(xrf2) =	vadd.scan.msk.f32 $0xffff, v8;
	v14 =	vadd.f32 v15, v14;
	v15 =	vmul.f32 $6.347656250e-03, v17;
	v13, _, _ =	vpop (xrf2)  }
0x178: {  	v16 =	vadd.f32 s31, v16;
	(v2sf) =	vpush v13, $0xF;
	(erf) = vpow2.f32 v10;
	v17 =	vpop (erf)  }
0x179: {  	v10 =	vperm.xlane v14, v3;
	v14 =	vadd.f32 $-1.300000000e+01, v15;
	v15 =	vadd.f32 $1.000000000e+00, v17  }
0x17a: {  	vm0 =	vmmov vm0;
	v18 =	vsub.f32 v16, v11;
	v7 =	vbroadcast v5, $0xF  }
0x17b: {  	vm3 =	vmmov vm0;
	v14 =	vsub.f32 $0.0e+00, v14  }
0x17c: {  	vm1 =	vgt.f32 v12, $0.0e+00;
	v19 =	vadd.f32 v18, v7;
	v16 =	vadd.f32 v16, v7  }
0x17d: {  	s30 =	simm.s32 $0x15848;
	vm1 =	vmmov vm1;
	s2 =	simm.s32 $0xFC0;
	(erf) = vrcp.f32 v15;
	v14 =	vmul.f32 $1.442695020e+00, v14;
	v15 =	vpop (erf)  }
0x17e: {  	s25 =	simm.s32 $0x10FB0;
	s0 =	scvt.s32.f32 s2;
	vm4 =	veq.f32 v18, $0.0e+00;
	v18 =	vld [tilespmem:s30+$0x0];
	s29 =	spop (v2sf);
	v20 =	vmul.f32 v11, v15;
	v11 =	vmul.f32 v19, v16  }
0x17f: {  	vm1 =	vmmov vm1;
	vm2 =	vgt.f32 v8, $0.0e+00;
	v6 =	vadd.f32 v9, v6;
	v17 =	vld [tilespmem:s25+$0x0];
	(xrf2) =	vadd.scan.msk.f32 $0xffff, v10;
	s1 =	sadd.f32 s29, s31  }
0x180: {  	v9 =	vimm.f32 $0.0e+00;
	vm0 =	vmmov vm2;
	s0 =	sadd.f32 $-5.000000000e-01, s0;
	v11 =	vmax.f32 v11, $1.000000000e+00  }
0x181: {  	vm2 =	vmand vm3, vm4;
	v21, _, _ =	vpop (xrf2);
	v13 =	vadd.f32 s1, v13;
	(erf) = vrcp.f32 v11  }
0x182: {  	(v2sf) =	vpush v21, $0xF;
	v16 =	vadd.f32 s0, v4;
	(erf) = vpow2.f32 v14;
	v14 =	vpop (erf)  }
0x183: {  	v19 =	vsel vm2, v15, v9;
	v15 =	vsub.f32 v13, v12;
	v14 =	vadd.f32 $1.000000000e+00, v14  }
0x184: {  	vm1 =	vmmov vm1;
	v17 =	vadd.f32 v18, v17  }
0x185: {  	s25 =	simm.s32 $0x10FA0;
	vm3 =	vgt.f32 v10, $0.0e+00;
	v16 =	vmul.f32 $6.347656250e-03, v16;
	v22 =	vadd.f32 v15, v7  }
0x186: {  	v23 =	vld [tilespmem:s25+$0x0];
	s31 =	simm.s32 $0xFB0;
	s29 =	simm.s32 $0x15838;
	v11 =	vperm.xlane v17, v3;
	v17 =	vadd.f32 v13, v7;
	vm2 =	veq.f32 v15, $0.0e+00  }
0x187: {  	s31 =	scvt.s32.f32 s31;
	v24 =	vld [tilespmem:s29+$0x0];
	v16 =	vadd.f32 $-1.300000000e+01, v16;
	vm2 =	vmand vm1, vm2;
	s25 =	spop (v2sf);
	(erf) = vrcp.f32 v14;
	v14 =	vpop (erf)  }
0x188: {  	s0 =	sadd.f32 s25, s1;
	v13 =	vmul.f32 v12, v14;
	v12 =	vsel vm2, v14, v19;
	v14 =	vmul.f32 v22, v17  }
0x189: {  	vm15 =	vmmov vm0;
	vm0 =	vmmov vm3;
	s31 =	sadd.f32 $-5.000000000e-01, s31;
	v16 =	vsub.f32 $0.0e+00, v16;
	v15, _, _ =	vpop (xrf2);
	(xrf2) =	vadd.scan.msk.f32 $0xffff, v11  }
0x18a: {  	(v2sf) =	vpush v15, $0xF;
	v18 =	vadd.f32 s0, v21;
	v14 =	vmax.f32 v14, $1.000000000e+00  }
0x18b: {  	v20 =	vmul.f32 v20, v7;
	vm1 =	vgt.f32 v11, $0.0e+00;
	v17 =	vadd.f32 s31, v4  }
0x18c: {  	v21 =	vadd.f32 v24, v23;
	v19 =	vmul.f32 $1.442695020e+00, v16;
	v16 =	vsub.f32 v18, v8  }
0x18d: {  	vm2 =	vmmov vm15;
	v22 =	vmul.f32 $6.347656250e-03, v17;
	(erf) = vrcp.f32 v14;
	v14 =	vpop (erf)  }
0x18e: {  	(erf) = vpow2.f32 v19;
	v19 =	vadd.f32 v16, v7;
	v23 =	vpop (erf);
	v17 =	vmul.f32 v14, v20  }
0x18f: {  	s2 =	simm.s32 $0x10F90;
	s30 =	simm.s32 $0xFA0;
	s29 =	simm.s32 $0x15828;
	v14 =	vperm.xlane v21, v3;
	v20 =	vadd.f32 $-1.300000000e+01, v22;
	v21 =	vadd.f32 $1.000000000e+00, v23  }
.LBB2_13:
0x190: {  	v23 =	vadd.f32 v18, v7;
	vm3 =	veq.f32 v16, $0.0e+00;
	s25 =	smov.u32 s30  }
0x191: {  	v22 =	vld [tilespmem:s2+$0x0];
	s1 =	scvt.s32.f32 s30;
	s31 =	spop (v2sf);
	v9 =	vadd.f32 v17, v9;
	vm4 =	vmmov vm0;
	vm0 =	vmmov vm1;
	s25 =	sadd.s32 $0xFFFFFFF0, s30  }
0x192: {  	p1 =	sne.s32 s30, $0x10;
	v16 =	vsub.f32 $0.0e+00, v20;
	vm2 =	vmand vm2, vm3;
	s0 =	sadd.f32 s31, s0;
	v17 =	vld [tilespmem:s29+$0x0];
	(xrf2) =	vadd.scan.msk.f32 $0xffff, v14;
	(erf) = vrcp.f32 v21;
	v18 =	vpop (erf)  }
0x193: {  	vm1 =	vgt.f32 v14, $0.0e+00;
	s1 =	sadd.f32 $-5.000000000e-01, s1;
	v20, _, _ =	vpop (xrf2);
	v21 =	vmul.f32 v8, v18;
	v12 =	vsel vm2, v18, v12  }
0x194: {  	v19 =	vmul.f32 v19, v23;
	v18 =	vadd.f32 s0, v15;
	v8 =	vmovc v10;
	(v2sf) =	vpush v20, $0xF;
	v15 =	vmovc v20  }
.Ltmp8:
0x195: {  	v23 =	vmul.f32 $1.442695020e+00, v16;
	v10 =	vmovc v11;
	v11 =	vmovc v14;
	vm2 =	vmmov vm4;
	v20 =	vadd.f32 s1, v4;
	(pc) =	sbr.rel @p1 .LBB2_13-.Ltmp8, $4  }
0x196: {  	v24 =	vmul.f32 v13, v7;
	v19 =	vmax.f32 v19, $1.000000000e+00;
	v16 =	vsub.f32 v18, v8;
	v13 =	vmovc v21  }
0x197: {  	v20 =	vmul.f32 $6.347656250e-03, v20;
	v21 =	vadd.f32 v17, v22;
	(erf) = vrcp.f32 v19;
	v14 =	vpop (erf)  }
0x198: {  	v19 =	vadd.f32 v16, v7;
	(erf) = vpow2.f32 v23;
	v22 =	vpop (erf);
	v17 =	vmul.f32 v14, v24  }
0x199: {  	s2 =	sadd.s32 $0xFFFFFFF0, s2;
	s29 =	sadd.s32 $0xFFFFFFF0, s29;
	s30 =	smov.u32 s25;
	v20 =	vadd.f32 $-1.300000000e+01, v20;
	v14 =	vperm.xlane v21, v3;
	v21 =	vadd.f32 $1.000000000e+00, v22  }
0x19a: {  	_ =	sdelay $0x1  }
0x19b: {  	v22, _, _ =	vpop (xrf2)  }
0x19c: {  	(v2sf) =	vpush v22, $0xF;
	_ =	sdelay $0x4  }
0x19d: {  	v18 =	vadd.f32 v18, v7;
	_ =	sdelay $0x1  }
0x19e: {  	v20 =	vsub.f32 $0.0e+00, v20;
	(xrf2) =	vadd.scan.msk.f32 $0xffff, v14;
	v18 =	vmul.f32 v19, v18  }
0x19f: {  	s1 =	spop (v2sf)  }
0x1a0: {  	(erf) = vrcp.f32 v21;
	s0 =	sadd.f32 s1, s0;
	v43 =	vmul.f32 $1.442695020e+00, v20;
	v18 =	vmax.f32 v18, $1.000000000e+00  }
0x1a1: {  	(erf) = vrcp.f32 v18  }
0x1a2: {  	v15 =	vadd.f32 s0, v15;
	(erf) = vpow2.f32 v43;
	_ =	sdelay $0x1  }
0x1a3: {  	v45 =	vsub.f32 v15, v10;
	s2 =	spop (v2sf)  }
0x1a4: {  	v44 =	vpop (erf);
	s0 =	sadd.f32 s2, s0  }
0x1a5: {  	v15 =	vadd.f32 v15, v7;
	v46 =	vpop (erf);
	v23 =	vadd.f32 v45, v7;
	s25 =	spop (v2sf)  }
0x1a6: {  	v48 =	vpop (erf);
	v47 =	vadd.f32 s0, v22;
	s0 =	sadd.f32 s25, s0  }
0x1a7: {  	v15 =	vmul.f32 v23, v15;
	v24, _, _ =	vpop (xrf2);
	v22 =	vadd.f32 $1.000000000e+00, v48  }
0x1a8: {  	v26 =	vpop (erf);
	v25 =	vsub.f32 v47, v11;
	v49 =	vadd.f32 s0, v24  }
0x1a9: {  	v15 =	vmax.f32 v15, $1.000000000e+00;
	v50 =	vpop (erf);
	v21 =	vadd.f32 v47, v7  }
0x1aa: {  	(erf) = vrcp.f32 v22;
	v28 =	vpop (erf);
	v27 =	vadd.f32 v25, v7;
	v29 =	vsub.f32 v49, v14  }
0x1ab: {  	(erf) = vrcp.f32 v15;
	v51 =	vadd.f32 $1.000000000e+00, v28  }
0x1ac: {  	v21 =	vmul.f32 v27, v21;
	v23 =	vadd.f32 v49, v7;
	v52 =	vadd.f32 v29, v7  }
0x1ad: {  	(erf) = vrcp.f32 v51  }
0x1ae: {  	v21 =	vmax.f32 v21, $1.000000000e+00;
	v53 =	vmul.f32 v52, v23  }
0x1af: {  	(erf) = vrcp.f32 v21  }
0x1b0: {  	v13 =	vmul.f32 v13, v7;
	v15 =	vmax.f32 v53, $1.000000000e+00  }
0x1b1: {  	v8 =	vmul.f32 v8, v44;
	(erf) = vrcp.f32 v15  }
0x1b2: {  	v9 =	vadd.f32 v17, v9;
	vm3 =	veq.f32 v16, $0.0e+00;
	v54 =	vmul.f32 v10, v26  }
0x1b3: {  	vm0 =	vmmov vm0;
	v8 =	vmul.f32 v8, v7;
	v13 =	vmul.f32 v46, v13  }
0x1b4: {  	vm1 =	vmmov vm1;
	vm2 =	vmand vm2, vm3;
	v10 =	vmul.f32 v54, v7;
	v55 =	vpop (erf)  }
0x1b5: {  	v9 =	vadd.f32 v13, v9;
	v8 =	vmul.f32 v50, v8;
	v56 =	vmul.f32 v11, v55;
	v57 =	vpop (erf)  }
0x1b6: {  	vm11 =	vgt.f32 v14, $0.0e+00;
	vm0 =	vmmov vm0;
	v10 =	vmul.f32 v57, v10;
	v58 =	vpop (erf)  }
0x1b7: {  	v8 =	vadd.f32 v8, v9;
	v11 =	vmul.f32 v56, v7;
	v59 =	vmul.f32 v14, v58  }
0x1b8: {  	vm1 =	vmmov vm1;
	v12 =	vsel vm2, v44, v12;
	vm2 =	vmmov vm11;
	v60 =	vpop (erf)  }
0x1b9: {  	v8 =	vadd.f32 v10, v8;
	v7 =	vmul.f32 v59, v7;
	v61 =	vmul.f32 v60, v11  }
0x1ba: {  	vm1 =	vmmov vm1;
	vm14 =	vmmov vm2;
	vm12 =	veq.f32 v45, $0.0e+00;
	v62 =	vpop (erf)  }
0x1bb: {  	vm0 =	vmand vm0, vm12;
	v8 =	vadd.f32 v61, v8;
	v7 =	vmul.f32 v62, v7  }
0x1bc: {  	v63 =	vsel vm0, v26, v12;
	vm0 =	vmmov vm14;
	vm13 =	veq.f32 v25, $0.0e+00  }
0x1bd: {  	(xrf2) =	vadd.scan.msk.f32 $0xffff, v6;
	vm1 =	vmand vm1, vm13;
	vm15 =	veq.f32 v29, $0.0e+00;
	v7 =	vadd.f32 v7, v8  }
0x1be: {  	v6 =	vsel vm1, v55, v63;
	vm0 =	vmand vm0, vm15  }
0x1bf: {  	v6 =	vsel vm0, v58, v6;
	(xrf2) =	vadd.scan.msk.f32 $0xffff, v7  }
0x1c0: {  	(xrf2) =	vadd.scan.msk.f32 $0xffff, v6;
	_ =	sdelay $0x5  }
0x1c1: {  	(v2sf) =	vpush v24, $0xF  }
0x1c2: {  	(v2sf) =	vpush v5, $0xF;
	v6, _, _ =	vpop (xrf2)  }
0x1c3: {  	(v2sf) =	vpush v6, $0xF  }
0x1c4: {  	v5, _, _ =	vpop (xrf2)  }
0x1c5: {  	(v2sf) =	vpush v5, $0xF;
	v5, _, _ =	vpop (xrf2)  }
0x1c6: {  	(v2sf) =	vpush v5, $0xF;
	_ =	sdelay $0x9  }
0x1c7: {  	s29 =	spop (v2sf)  }
0x1c8: {  	s0 =	spop (v2sf)  }
0x1c9: {  	s30 =	spop (v2sf)  }
0x1ca: {  	s1 =	smul.f32 $-3.814697270e-06, s30  }
0x1cb: {  	p1 =	sgt.f32 s0, $0.0e+00;
	s0 =	spop (v2sf)  }
0x1cc: {  	s1 =	sadd.f32 $1.000000000e+00, s1;
	s2 =	spop (v2sf)  }
0x1cd: {  	s2 =	smov.u32 @p1 s0  }
0x1ce: {  	s0 =	sadd.f32 s2, s1;
	_ =	sdelay $0x1  }
0x1cf: {  	v5 =	vmov s0  }
.Ltmp9:
0x1d0: {  	s31 =	simm.s32 $0x0;
	[tilespmem:$0x16918] =	vst v5;
	(pc) =	sbr.rel .LBB2_15-.Ltmp9, $4  }
0x1d1: {  	[hbm4b:s11+s31] =	stream.linear.scatter [tilespmem:s26], [sflag:$0x5], $0x80, $0x38;
	[tilespmem:$0x16998] =	vst v63  }
0x1d2: {  	_ =	swait.ge [sflag:s24], $0x80  }
0x1d3: {  	[sflag:s24] =	ssyncset.done $0x0  }
0x1d4: {  	[sflag:s24] =	ssyncadd.s32 $0xFFFFFF80  }
.LBB2_16:
0x1d5: {  	_ =	sfence.sel $0x180000  }
0x1d6: {  	[bflag:$0x0] =	sbarrier.arrive $0xFFFF  }
0x1d7: {  	_ =	strace $0x90000047  }
0x1d8: {  	s0 =	stileid.u32;
	[bflag:$0x2] =	sbarrier.arrive $0xFFFF  }
0x1d9: {  	p0 =	sne.s32 s0, $0x0;
	s0 =	rddreg [dreg:$0x2]  }
0x1da: {  	s0 =	sadd.s32 @!p0 $0x100000, s0  }
0x1db: {  	[sflag:s0] =	ssyncadd.tile.s32 @!p0 $0x1;
	_ =	shalt  }
.Lfunc_end2:
_tile_overlayer_lowered:
.L_overlay_start_2:
0x1dc: {  	(tag) =	ssettag $0x2  }
0x1dd: {  	s0 =	rddreg [dreg:$0x0];
	s2 =	stileid.u32  }
0x1de: {  	s1 =	rddreg [dreg:$0x1];
	p0 =	sne.s32 s2, $0x0  }
0x1df: {  	s3 =	rddreg [dreg:$0x2];
	[bflag:$0x3] =	sbarrier.arrive $0xFFFF;
	s2 =	simm.s32 @!p0 $0x1C05  }
0x1e0: {  	[timem:s3], [sflag:s2] =	dma.local @!p0 [hbm:s0], s1  }
0x1e1: {  	s0 =	simm.s32 @!p0 $0x5  }
0x1e2: {  	_ =	swait.ge @!p0 [sflag:s0], s1  }
0x1e3: {  	s1 =	ssub.s32 @!p0 $0x0, s1;
	[sflag:s0] =	ssyncset.done @!p0 $0x0  }
0x1e4: {  	[sflag:s0] =	ssyncadd.s32 @!p0 s1  }
0x1e5: {  	[bflag:$0x3] =	sbarrier.arrive $0xFFFF  }
0x1e6: {  	_ =	shalt  }

</sc_bundles>
